<compile_context>
chip_gen: v7x
topology: tpu7x:2x2x1
jax: 0.10.2.dev20260603
libtpu: 0.0.44.dev20260713+nightly
codegen_flags: <defaults>
</compile_context>

<pallas_src>
import functools

import jax
import jax.numpy as jnp
from jax import lax
from jax.experimental import pallas as pl
from jax.experimental.pallas import tpu as pltpu
from jax.experimental.pallas import tpu_sc as plsc

HASH_BITS = 24
NUM_Q = 16384
FEAT = 512
NUM_BYTES = 2 ** (HASH_BITS - 3)
NUM_WORDS = 2 ** (HASH_BITS - 5)

NUM_SPLITS = 2
Q_SPLIT = NUM_Q // NUM_SPLITS

TC_BLOCK = 4096
TC_GRID = Q_SPLIT // TC_BLOCK
BYTES_BLK = NUM_BYTES // TC_GRID
WORDS_BLK = NUM_WORDS // TC_GRID

NUM_CORES = 2
NUM_SUBCORES = 16
NUM_WORKERS = NUM_CORES * NUM_SUBCORES
ROWS_PER_WORKER = Q_SPLIT // NUM_WORKERS
GATHER_CHUNK = 128
NUM_CHUNKS = ROWS_PER_WORKER // GATHER_CHUNK
LANES = 16


def _hash_math(x_val, rm_t_val):
    prod_t = lax.dot_general(rm_t_val, x_val,
                             (((1,), (1,)), ((), ())),
                             preferred_element_type=jnp.float32
                             )
    signs = (prod_t < 0.0).astype(jnp.bfloat16)
    col = lax.broadcasted_iota(jnp.int32, (1, HASH_BITS), 1)
    pow2 = lax.shift_left(jnp.int32(1), col).astype(jnp.bfloat16)
    idx_f = lax.dot_general(pow2, signs,
                            (((1,), (0,)), ((), ())),
                            preferred_element_type=jnp.float32)
    h = idx_f.astype(jnp.int32)
    b = lax.shift_right_logical(h, 3)
    widx = jnp.bitwise_or(
        lax.shift_left(lax.shift_right_logical(b, 9), 7),
        jnp.bitwise_and(b, 127))
    k = jnp.bitwise_and(lax.shift_right_logical(b, 7), 3)
    bitpos = jnp.bitwise_or(lax.shift_left(k, 3), jnp.bitwise_and(h, 7))
    return jnp.bitwise_or(lax.shift_left(widx, 5), bitpos)


def _hash_repack_body(x_ref, rm_ref, bset_any, packed_ref, words_ref,
                      buf0, buf1, sem0, sem1):
    i = pl.program_id(0)

    def _copy_in(step, buf, sem):
        return pltpu.make_async_copy(
            bset_any.at[pl.ds(step * BYTES_BLK, BYTES_BLK)], buf, sem)

    @pl.when(i == 0)
    def _prime():
        _copy_in(0, buf0, sem0).start()

    @pl.when((i + 1 < TC_GRID) & (i % 2 == 1))
    def _prefetch0():
        _copy_in(i + 1, buf0, sem0).start()

    @pl.when((i + 1 < TC_GRID) & (i % 2 == 0))
    def _prefetch1():
        _copy_in(i + 1, buf1, sem1).start()

    @pl.when(i % 2 == 0)
    def _w0():
        _copy_in(i, buf0, sem0).wait()
        bblk = jnp.reshape(buf0[...], (BYTES_BLK // 128, 128))
        words_ref[...] = jnp.reshape(pltpu.bitcast(bblk, jnp.int32),
                                     (WORDS_BLK,))

    @pl.when(i % 2 == 1)
    def _w1():
        _copy_in(i, buf1, sem1).wait()
        bblk = jnp.reshape(buf1[...], (BYTES_BLK // 128, 128))
        words_ref[...] = jnp.reshape(pltpu.bitcast(bblk, jnp.int32),
                                     (WORDS_BLK,))

    packed_ref[...] = jnp.reshape(_hash_math(x_ref[...], rm_ref[...]),
                                  (1, 1, TC_BLOCK))


def _hash_only_body(x_ref, rm_ref, packed_ref):
    packed_ref[...] = jnp.reshape(_hash_math(x_ref[...], rm_ref[...]),
                                  (1, 1, TC_BLOCK))


def _hash_and_repack_a(x, rm_t, binary_set):
    return pl.pallas_call(
        _hash_repack_body,
        grid=(TC_GRID,),
        in_specs=[
            pl.BlockSpec((TC_BLOCK, FEAT), lambda i: (i, 0)),
            pl.BlockSpec((HASH_BITS, FEAT), lambda i: (0, 0)),
            pl.BlockSpec(memory_space=pl.ANY),
        ],
        out_specs=[
            pl.BlockSpec((1, 1, TC_BLOCK), lambda i: (i, 0, 0)),
            pl.BlockSpec((WORDS_BLK,), lambda i: (i,)),
        ],
        out_shape=[
            jax.ShapeDtypeStruct((TC_GRID, 1, TC_BLOCK), jnp.int32),
            jax.ShapeDtypeStruct((NUM_WORDS,), jnp.int32),
        ],
        scratch_shapes=[
            pltpu.VMEM((BYTES_BLK,), jnp.uint8),
            pltpu.VMEM((BYTES_BLK,), jnp.uint8),
            pltpu.SemaphoreType.DMA,
            pltpu.SemaphoreType.DMA,
        ],
    )(x, rm_t, binary_set)


def _hash_b(x, rm_t):
    return pl.pallas_call(
        _hash_only_body,
        grid=(TC_GRID,),
        in_specs=[
            pl.BlockSpec((TC_BLOCK, FEAT), lambda i: (i + TC_GRID, 0)),
            pl.BlockSpec((HASH_BITS, FEAT), lambda i: (0, 0)),
        ],
        out_specs=pl.BlockSpec((1, 1, TC_BLOCK), lambda i: (i, 0, 0)),
        out_shape=jax.ShapeDtypeStruct((TC_GRID, 1, TC_BLOCK), jnp.int32),
    )(x, rm_t)


def _lookup_sc_body(packed_hbm, words_hbm, out_hbm,
                    packed_v, widx_v, words_v, out_v, sem):
    wid = lax.axis_index("s") * NUM_CORES + lax.axis_index("c")
    base = wid * ROWS_PER_WORKER
    row = base // TC_BLOCK
    col = base % TC_BLOCK
    pltpu.sync_copy(packed_hbm.at[row, 0, pl.ds(col, ROWS_PER_WORKER)],
                    packed_v)
    copies = []
    for j in range(NUM_CHUNKS):
        for i in range(j * GATHER_CHUNK // LANES,
                       (j + 1) * GATHER_CHUNK // LANES):
            sl = pl.ds(i * LANES, LANES)
            widx_v[sl] = lax.shift_right_logical(packed_v[sl], 5)
        sl = pl.ds(j * GATHER_CHUNK, GATHER_CHUNK)
        copies.append(pltpu.async_copy(words_hbm.at[widx_v.at[sl]],
                                       words_v.at[sl], sem))
    for c in copies:
        c.wait()
    for i in range(ROWS_PER_WORKER // LANES):
        sl = pl.ds(i * LANES, LANES)
        out_v[sl] = jnp.bitwise_and(
            lax.shift_right_logical(words_v[sl],
                                    jnp.bitwise_and(packed_v[sl], 31)), 1)
    pltpu.sync_copy(out_v, out_hbm.at[pl.ds(base, ROWS_PER_WORKER)])


@functools.cache
def _lookup_bits_kernel():
    return pl.kernel(
        _lookup_sc_body,
        out_type=jax.ShapeDtypeStruct((Q_SPLIT,), jnp.int32),
        mesh=plsc.VectorSubcoreMesh(core_axis_name="c", subcore_axis_name="s",
                                    num_cores=NUM_CORES,
                                    num_subcores=NUM_SUBCORES),
        scratch_types=[
            pltpu.VMEM((ROWS_PER_WORKER,), jnp.int32),
            pltpu.VMEM((ROWS_PER_WORKER,), jnp.int32),
            pltpu.VMEM((ROWS_PER_WORKER,), jnp.int32),
            pltpu.VMEM((ROWS_PER_WORKER,), jnp.int32),
            pltpu.SemaphoreType.DMA,
        ],
    )


def kernel(x, is_training, test_local_stats, random_matrix, binary_set):
    x = jnp.reshape(x, (x.shape[0], -1))
    rm_t = jnp.transpose(jax.lax.stop_gradient(random_matrix))
    lookup = _lookup_bits_kernel()
    packed_a, words = _hash_and_repack_a(x, rm_t, binary_set)
    packed_b = _hash_b(x, rm_t)
    bits_a = lookup(packed_a, words).astype(jnp.bool_)
    bits_b = lookup(packed_b, words).astype(jnp.bool_)
    return jnp.concatenate([bits_a, bits_b])

# --- scband reference (transcript-rebuilt; emitter-appended) ---
"""Pipeline reference for scband-sim-hash-19069654794742 (READ-ONLY COPY).

The authoritative reference and input builder live on the scoring server;
editing this copy changes nothing except your own understanding.
"""

import jax, jax.numpy as jnp
import numpy as np

BITS = 24
Q, D = 16384, 512


def setup_inputs(seed: int = 0) -> dict:
    key = jax.random.key(seed)
    k1, k2 = jax.random.split(key)
    x = jax.random.normal(k1, (Q, D), dtype=jnp.float32)
    # learned/state parameters per module: hk.get_state random_matrix and binary_set buffer
    random_matrix = jax.random.normal(k2, (D, BITS), dtype=jnp.float32)
    binary_set = jnp.zeros(2 ** (BITS - 3), dtype=jnp.uint8)
    return {"x": x, "is_training": False, "test_local_stats": False,
            "random_matrix": random_matrix, "binary_set": binary_set}


def reference(x, is_training, test_local_stats, random_matrix, binary_set):
    x = jnp.reshape(x, (x.shape[0], -1))
    rm = jax.lax.stop_gradient(random_matrix)
    product = jnp.matmul(x, rm)
    powers_of_two = 2 ** jnp.arange(BITS, dtype=jnp.uint32)
    masked_powers = jnp.where(product < 0.0, powers_of_two, jnp.zeros((), dtype=jnp.uint32))
    indices = jnp.sum(masked_powers, axis=1, dtype=jnp.uint32)
    byte_indices = indices // 8
    bit_indices = indices % 8
    bytes_from_set = jnp.take(binary_set, byte_indices, axis=0)
    seen = (bytes_from_set.astype(jnp.uint32) & (jnp.uint32(1) << bit_indices)) > 0
    return seen

if __name__ == "__main__":
    import jax
    _d = setup_inputs()
    print(jax.jit(kernel)(*tuple(_d.values())))

</pallas_src>

<mosaic_0001>
#map = affine_map<(d0, d1) -> (0, 0, 0)>
#map1 = affine_map<(d0, d1) -> (0)>
module attributes {stable_mosaic.version = 14 : i64} {
  func.func @_lookup_sc_body(%arg0: i32, %arg1: i32, %arg2: memref<2x1x4096xi32, #tpu.memory_space<hbm>>, %arg3: memref<524288xi32, #tpu.memory_space<hbm>>, %arg4: memref<8192xi32, #tpu.memory_space<hbm>>, %arg5: memref<256xi32, #tpu.memory_space<vmem>>, %arg6: memref<256xi32, #tpu.memory_space<vmem>>, %arg7: memref<256xi32, #tpu.memory_space<vmem>>, %arg8: memref<256xi32, #tpu.memory_space<vmem>>, %arg9: memref<!tpu.dma_semaphore, #tpu.memory_space<semaphore_mem>>) attributes {dimension_semantics = [#tpu.dimension_semantics<core_parallel>, #tpu.dimension_semantics<subcore_parallel>], iteration_bounds = array<i64: 2, 16>, scalar_prefetch = 0 : i64, scratch_operands = 5 : i64, tpu.core_type = #tpu.core_type<sc_vector_subcore>, window_params = [{transform_indices = #map}, {transform_indices = #map1}, {transform_indices = #map1}]} {
    %mul3A = arith.constant 2 : i32
    %mul3A_0 = arith.muli %arg1, %mul3A : i32
    %add3A = arith.addi %mul3A_0, %arg0 : i32
    %mul3A_1 = arith.constant 256 : i32
    %mul3A_2 = arith.muli %add3A, %mul3A_1 : i32
    %jit3A = arith.constant 4096 : i32
    %div3A = arith.divsi %mul3A_2, %jit3A : i32
    %sign3A = arith.constant 0 : i32
    %sign3A_3 = arith.cmpi sgt, %mul3A_2, %sign3A : i32
    %sign3A_4 = arith.extui %sign3A_3 : i1 to i32
    %sign3A_5 = arith.constant 0 : i32
    %sign3A_6 = arith.cmpi slt, %mul3A_2, %sign3A_5 : i32
    %sign3A_7 = arith.extui %sign3A_6 : i1 to i32
    %sign3A_8 = arith.subi %sign3A_4, %sign3A_7 : i32
    %sign3A_9 = arith.constant 0 : i32
    %sign3A_10 = arith.cmpi sgt, %jit3A, %sign3A_9 : i32
    %sign3A_11 = arith.extui %sign3A_10 : i1 to i32
    %sign3A_12 = arith.constant 0 : i32
    %sign3A_13 = arith.cmpi slt, %jit3A, %sign3A_12 : i32
    %sign3A_14 = arith.extui %sign3A_13 : i1 to i32
    %sign3A_15 = arith.subi %sign3A_11, %sign3A_14 : i32
    %ne3A = arith.cmpi ne, %sign3A_8, %sign3A_15 : i32
    %rem3A = arith.remsi %mul3A_2, %jit3A : i32
    %ne3A_16 = arith.constant 0 : i32
    %ne3A_17 = arith.cmpi ne, %rem3A, %ne3A_16 : i32
    %and3A = arith.andi %ne3A, %ne3A_17 : i1
    %sub3A = arith.constant 1 : i32
    %sub3A_18 = arith.subi %div3A, %sub3A : i32
    %select_n3A = arith.select %and3A, %sub3A_18, %div3A : i32
    %jit3A_19 = arith.constant 4096 : i32
    %eq3A = arith.constant 0 : i32
    %eq3A_20 = arith.cmpi eq, %jit3A_19, %eq3A : i32
    %jit3A_21 = arith.constant 1 : i32
    %select_n3A_22 = arith.select %eq3A_20, %jit3A_21, %jit3A_19 : i32
    %rem3A_23 = arith.remsi %mul3A_2, %select_n3A_22 : i32
    %ne3A_24 = arith.constant 0 : i32
    %ne3A_25 = arith.cmpi ne, %rem3A_23, %ne3A_24 : i32
    %lt3A = arith.constant 0 : i32
    %lt3A_26 = arith.cmpi slt, %rem3A_23, %lt3A : i32
    %lt3A_27 = arith.constant 0 : i32
    %lt3A_28 = arith.cmpi slt, %select_n3A_22, %lt3A_27 : i32
    %ne3A_29 = arith.xori %lt3A_26, %lt3A_28 : i1
    %and3A_30 = arith.andi %ne3A_29, %ne3A_25 : i1
    %add3A_31 = arith.addi %rem3A_23, %select_n3A_22 : i32
    %select_n3A_32 = arith.select %and3A_30, %add3A_31, %rem3A_23 : i32
    %run_scoped3A = arith.constant 0 : i32
    "tpu.region"() ({
      %run_scoped3A_484 = tpu.sem_alloc : memref<!tpu.dma_semaphore, #tpu.memory_space<semaphore_mem>>
      %dma_start3A_485 = tpu.memref_slice %arg2[%select_n3A, %run_scoped3A, %select_n3A_32] : memref<2x1x4096xi32, #tpu.memory_space<hbm>> -> memref<1x1x256xi32, #tpu.memory_space<hbm>>
      %dma_start3A_486 = tpu.memref_squeeze %dma_start3A_485 : memref<1x1x256xi32, #tpu.memory_space<hbm>> -> memref<256xi32, #tpu.memory_space<hbm>>
      %dma_start3A_487 = tpu.memref_slice %arg2[%select_n3A, %run_scoped3A, %select_n3A_32] : memref<2x1x4096xi32, #tpu.memory_space<hbm>> -> memref<1x1x256xi32, #tpu.memory_space<hbm>>
      %dma_start3A_488 = tpu.memref_squeeze %dma_start3A_487 : memref<1x1x256xi32, #tpu.memory_space<hbm>> -> memref<256xi32, #tpu.memory_space<hbm>>
      tpu.enqueue_dma source(%dma_start3A_488 : memref<256xi32, #tpu.memory_space<hbm>>) target(%arg5 : memref<256xi32, #tpu.memory_space<vmem>>) target_semaphore(%run_scoped3A_484 : memref<!tpu.dma_semaphore, #tpu.memory_space<semaphore_mem>>)
      %dma_wait3A_489 = tpu.memref_slice %arg2[%select_n3A, %run_scoped3A, %select_n3A_32] : memref<2x1x4096xi32, #tpu.memory_space<hbm>> -> memref<1x1x256xi32, #tpu.memory_space<hbm>>
      %dma_wait3A_490 = tpu.memref_squeeze %dma_wait3A_489 : memref<1x1x256xi32, #tpu.memory_space<hbm>> -> memref<256xi32, #tpu.memory_space<hbm>>
      %dma_wait3A_491 = tpu.memref_slice %arg2[%select_n3A, %run_scoped3A, %select_n3A_32] : memref<2x1x4096xi32, #tpu.memory_space<hbm>> -> memref<1x1x256xi32, #tpu.memory_space<hbm>>
      %dma_wait3A_492 = tpu.memref_squeeze %dma_wait3A_491 : memref<1x1x256xi32, #tpu.memory_space<hbm>> -> memref<256xi32, #tpu.memory_space<hbm>>
      tpu.wait_dma2 semaphore(%run_scoped3A_484 : memref<!tpu.dma_semaphore, #tpu.memory_space<semaphore_mem>>) src(%dma_wait3A_492 : memref<256xi32, #tpu.memory_space<hbm>>) dst(%arg5 : memref<256xi32, #tpu.memory_space<vmem>>)
      tpu.yield
    }) : () -> ()
    %get3A = arith.constant 0 : index
    %get3A_33 = tpu.vector_load %arg5[%get3A] {strides = array<i32>} : memref<256xi32, #tpu.memory_space<vmem>>, vector<16xi32>,
    %get3A_34 = vector.shape_cast %get3A_33 : vector<16xi32> to vector<16xi32>
    %shift_right_logical3A = arith.constant 5 : i32
    %shift_right_logical3A_35 = vector.broadcast %shift_right_logical3A : i32 to vector<16xi32>
    %shift_right_logical3A_36 = arith.shrui %get3A_34, %shift_right_logical3A_35 : vector<16xi32>
    %swap3A = arith.constant 0 : index
    %swap3A_37 = tpu.vector_load %arg6[%swap3A] {strides = array<i32>} : memref<256xi32, #tpu.memory_space<vmem>>, vector<16xi32>,
    %swap3A_38 = vector.shape_cast %swap3A_37 : vector<16xi32> to vector<16xi32>
    %swap3A_39 = vector.shape_cast %shift_right_logical3A_36 : vector<16xi32> to vector<16xi32>
    tpu.vector_store %arg6[%swap3A], %swap3A_39 {strides = array<i32>} : memref<256xi32, #tpu.memory_space<vmem>>, vector<16xi32>,
    %get3A_40 = arith.constant 16 : index
    %get3A_41 = tpu.vector_load %arg5[%get3A_40] {strides = array<i32>} : memref<256xi32, #tpu.memory_space<vmem>>, vector<16xi32>,
    %get3A_42 = vector.shape_cast %get3A_41 : vector<16xi32> to vector<16xi32>
    %shift_right_logical3A_43 = arith.constant 5 : i32
    %shift_right_logical3A_44 = vector.broadcast %shift_right_logical3A_43 : i32 to vector<16xi32>
    %shift_right_logical3A_45 = arith.shrui %get3A_42, %shift_right_logical3A_44 : vector<16xi32>
    %swap3A_46 = arith.constant 16 : index
    %swap3A_47 = tpu.vector_load %arg6[%swap3A_46] {strides = array<i32>} : memref<256xi32, #tpu.memory_space<vmem>>, vector<16xi32>,
    %swap3A_48 = vector.shape_cast %swap3A_47 : vector<16xi32> to vector<16xi32>
    %swap3A_49 = vector.shape_cast %shift_right_logical3A_45 : vector<16xi32> to vector<16xi32>
    tpu.vector_store %arg6[%swap3A_46], %swap3A_49 {strides = array<i32>} : memref<256xi32, #tpu.memory_space<vmem>>, vector<16xi32>,
    %get3A_50 = arith.constant 32 : index
    %get3A_51 = tpu.vector_load %arg5[%get3A_50] {strides = array<i32>} : memref<256xi32, #tpu.memory_space<vmem>>, vector<16xi32>,
    %get3A_52 = vector.shape_cast %get3A_51 : vector<16xi32> to vector<16xi32>
    %shift_right_logical3A_53 = arith.constant 5 : i32
    %shift_right_logical3A_54 = vector.broadcast %shift_right_logical3A_53 : i32 to vector<16xi32>
    %shift_right_logical3A_55 = arith.shrui %get3A_52, %shift_right_logical3A_54 : vector<16xi32>
    %swap3A_56 = arith.constant 32 : index
    %swap3A_57 = tpu.vector_load %arg6[%swap3A_56] {strides = array<i32>} : memref<256xi32, #tpu.memory_space<vmem>>, vector<16xi32>,
    %swap3A_58 = vector.shape_cast %swap3A_57 : vector<16xi32> to vector<16xi32>
    %swap3A_59 = vector.shape_cast %shift_right_logical3A_55 : vector<16xi32> to vector<16xi32>
    tpu.vector_store %arg6[%swap3A_56], %swap3A_59 {strides = array<i32>} : memref<256xi32, #tpu.memory_space<vmem>>, vector<16xi32>,
    %get3A_60 = arith.constant 48 : index
    %get3A_61 = tpu.vector_load %arg5[%get3A_60] {strides = array<i32>} : memref<256xi32, #tpu.memory_space<vmem>>, vector<16xi32>,
    %get3A_62 = vector.shape_cast %get3A_61 : vector<16xi32> to vector<16xi32>
    %shift_right_logical3A_63 = arith.constant 5 : i32
    %shift_right_logical3A_64 = vector.broadcast %shift_right_logical3A_63 : i32 to vector<16xi32>
    %shift_right_logical3A_65 = arith.shrui %get3A_62, %shift_right_logical3A_64 : vector<16xi32>
    %swap3A_66 = arith.constant 48 : index
    %swap3A_67 = tpu.vector_load %arg6[%swap3A_66] {strides = array<i32>} : memref<256xi32, #tpu.memory_space<vmem>>, vector<16xi32>,
    %swap3A_68 = vector.shape_cast %swap3A_67 : vector<16xi32> to vector<16xi32>
    %swap3A_69 = vector.shape_cast %shift_right_logical3A_65 : vector<16xi32> to vector<16xi32>
    tpu.vector_store %arg6[%swap3A_66], %swap3A_69 {strides = array<i32>} : memref<256xi32, #tpu.memory_space<vmem>>, vector<16xi32>,
    %get3A_70 = arith.constant 64 : index
    %get3A_71 = tpu.vector_load %arg5[%get3A_70] {strides = array<i32>} : memref<256xi32, #tpu.memory_space<vmem>>, vector<16xi32>,
    %get3A_72 = vector.shape_cast %get3A_71 : vector<16xi32> to vector<16xi32>
    %shift_right_logical3A_73 = arith.constant 5 : i32
    %shift_right_logical3A_74 = vector.broadcast %shift_right_logical3A_73 : i32 to vector<16xi32>
    %shift_right_logical3A_75 = arith.shrui %get3A_72, %shift_right_logical3A_74 : vector<16xi32>
    %swap3A_76 = arith.constant 64 : index
    %swap3A_77 = tpu.vector_load %arg6[%swap3A_76] {strides = array<i32>} : memref<256xi32, #tpu.memory_space<vmem>>, vector<16xi32>,
    %swap3A_78 = vector.shape_cast %swap3A_77 : vector<16xi32> to vector<16xi32>
    %swap3A_79 = vector.shape_cast %shift_right_logical3A_75 : vector<16xi32> to vector<16xi32>
    tpu.vector_store %arg6[%swap3A_76], %swap3A_79 {strides = array<i32>} : memref<256xi32, #tpu.memory_space<vmem>>, vector<16xi32>,
    %get3A_80 = arith.constant 80 : index
    %get3A_81 = tpu.vector_load %arg5[%get3A_80] {strides = array<i32>} : memref<256xi32, #tpu.memory_space<vmem>>, vector<16xi32>,
    %get3A_82 = vector.shape_cast %get3A_81 : vector<16xi32> to vector<16xi32>
    %shift_right_logical3A_83 = arith.constant 5 : i32
    %shift_right_logical3A_84 = vector.broadcast %shift_right_logical3A_83 : i32 to vector<16xi32>
    %shift_right_logical3A_85 = arith.shrui %get3A_82, %shift_right_logical3A_84 : vector<16xi32>
    %swap3A_86 = arith.constant 80 : index
    %swap3A_87 = tpu.vector_load %arg6[%swap3A_86] {strides = array<i32>} : memref<256xi32, #tpu.memory_space<vmem>>, vector<16xi32>,
    %swap3A_88 = vector.shape_cast %swap3A_87 : vector<16xi32> to vector<16xi32>
    %swap3A_89 = vector.shape_cast %shift_right_logical3A_85 : vector<16xi32> to vector<16xi32>
    tpu.vector_store %arg6[%swap3A_86], %swap3A_89 {strides = array<i32>} : memref<256xi32, #tpu.memory_space<vmem>>, vector<16xi32>,
    %get3A_90 = arith.constant 96 : index
    %get3A_91 = tpu.vector_load %arg5[%get3A_90] {strides = array<i32>} : memref<256xi32, #tpu.memory_space<vmem>>, vector<16xi32>,
    %get3A_92 = vector.shape_cast %get3A_91 : vector<16xi32> to vector<16xi32>
    %shift_right_logical3A_93 = arith.constant 5 : i32
    %shift_right_logical3A_94 = vector.broadcast %shift_right_logical3A_93 : i32 to vector<16xi32>
    %shift_right_logical3A_95 = arith.shrui %get3A_92, %shift_right_logical3A_94 : vector<16xi32>
    %swap3A_96 = arith.constant 96 : index
    %swap3A_97 = tpu.vector_load %arg6[%swap3A_96] {strides = array<i32>} : memref<256xi32, #tpu.memory_space<vmem>>, vector<16xi32>,
    %swap3A_98 = vector.shape_cast %swap3A_97 : vector<16xi32> to vector<16xi32>
    %swap3A_99 = vector.shape_cast %shift_right_logical3A_95 : vector<16xi32> to vector<16xi32>
    tpu.vector_store %arg6[%swap3A_96], %swap3A_99 {strides = array<i32>} : memref<256xi32, #tpu.memory_space<vmem>>, vector<16xi32>,
    %get3A_100 = arith.constant 112 : index
    %get3A_101 = tpu.vector_load %arg5[%get3A_100] {strides = array<i32>} : memref<256xi32, #tpu.memory_space<vmem>>, vector<16xi32>,
    %get3A_102 = vector.shape_cast %get3A_101 : vector<16xi32> to vector<16xi32>
    %shift_right_logical3A_103 = arith.constant 5 : i32
    %shift_right_logical3A_104 = vector.broadcast %shift_right_logical3A_103 : i32 to vector<16xi32>
    %shift_right_logical3A_105 = arith.shrui %get3A_102, %shift_right_logical3A_104 : vector<16xi32>
    %swap3A_106 = arith.constant 112 : index
    %swap3A_107 = tpu.vector_load %arg6[%swap3A_106] {strides = array<i32>} : memref<256xi32, #tpu.memory_space<vmem>>, vector<16xi32>,
    %swap3A_108 = vector.shape_cast %swap3A_107 : vector<16xi32> to vector<16xi32>
    %swap3A_109 = vector.shape_cast %shift_right_logical3A_105 : vector<16xi32> to vector<16xi32>
    tpu.vector_store %arg6[%swap3A_106], %swap3A_109 {strides = array<i32>} : memref<256xi32, #tpu.memory_space<vmem>>, vector<16xi32>,
    %dma_start3A = arith.constant 0 : i32
    %dma_start3A_110 = tpu.memref_slice %arg7[%dma_start3A] : memref<256xi32, #tpu.memory_space<vmem>> -> memref<128xi32, #tpu.memory_space<vmem>>
    %dma_start3A_111 = arith.constant 0 : i32
    %dma_start3A_112 = tpu.memref_slice %arg6[%dma_start3A_111] : memref<256xi32, #tpu.memory_space<vmem>> -> memref<128xi32, #tpu.memory_space<vmem>>
    %dma_start3A_113 = arith.constant 0 : i32
    %dma_start3A_114 = tpu.memref_slice %arg3[%dma_start3A_113] : memref<524288xi32, #tpu.memory_space<hbm>> -> memref<524288xi32, #tpu.memory_space<hbm>>
    tpu.enqueue_indirect_dma source(%dma_start3A_114 : memref<524288xi32, #tpu.memory_space<hbm>>) target(%dma_start3A_110 : memref<128xi32, #tpu.memory_space<vmem>>) offsets(%dma_start3A_112 : memref<128xi32, #tpu.memory_space<vmem>>) semaphore(%arg9 : memref<!tpu.dma_semaphore, #tpu.memory_space<semaphore_mem>>)
    %get3A_115 = arith.constant 128 : index
    %get3A_116 = tpu.vector_load %arg5[%get3A_115] {strides = array<i32>} : memref<256xi32, #tpu.memory_space<vmem>>, vector<16xi32>,
    %get3A_117 = vector.shape_cast %get3A_116 : vector<16xi32> to vector<16xi32>
    %shift_right_logical3A_118 = arith.constant 5 : i32
    %shift_right_logical3A_119 = vector.broadcast %shift_right_logical3A_118 : i32 to vector<16xi32>
    %shift_right_logical3A_120 = arith.shrui %get3A_117, %shift_right_logical3A_119 : vector<16xi32>
    %swap3A_121 = arith.constant 128 : index
    %swap3A_122 = tpu.vector_load %arg6[%swap3A_121] {strides = array<i32>} : memref<256xi32, #tpu.memory_space<vmem>>, vector<16xi32>,
    %swap3A_123 = vector.shape_cast %swap3A_122 : vector<16xi32> to vector<16xi32>
    %swap3A_124 = vector.shape_cast %shift_right_logical3A_120 : vector<16xi32> to vector<16xi32>
    tpu.vector_store %arg6[%swap3A_121], %swap3A_124 {strides = array<i32>} : memref<256xi32, #tpu.memory_space<vmem>>, vector<16xi32>,
    %get3A_125 = arith.constant 144 : index
    %get3A_126 = tpu.vector_load %arg5[%get3A_125] {strides = array<i32>} : memref<256xi32, #tpu.memory_space<vmem>>, vector<16xi32>,
    %get3A_127 = vector.shape_cast %get3A_126 : vector<16xi32> to vector<16xi32>
    %shift_right_logical3A_128 = arith.constant 5 : i32
    %shift_right_logical3A_129 = vector.broadcast %shift_right_logical3A_128 : i32 to vector<16xi32>
    %shift_right_logical3A_130 = arith.shrui %get3A_127, %shift_right_logical3A_129 : vector<16xi32>
    %swap3A_131 = arith.constant 144 : index
    %swap3A_132 = tpu.vector_load %arg6[%swap3A_131] {strides = array<i32>} : memref<256xi32, #tpu.memory_space<vmem>>, vector<16xi32>,
    %swap3A_133 = vector.shape_cast %swap3A_132 : vector<16xi32> to vector<16xi32>
    %swap3A_134 = vector.shape_cast %shift_right_logical3A_130 : vector<16xi32> to vector<16xi32>
    tpu.vector_store %arg6[%swap3A_131], %swap3A_134 {strides = array<i32>} : memref<256xi32, #tpu.memory_space<vmem>>, vector<16xi32>,
    %get3A_135 = arith.constant 160 : index
    %get3A_136 = tpu.vector_load %arg5[%get3A_135] {strides = array<i32>} : memref<256xi32, #tpu.memory_space<vmem>>, vector<16xi32>,
    %get3A_137 = vector.shape_cast %get3A_136 : vector<16xi32> to vector<16xi32>
    %shift_right_logical3A_138 = arith.constant 5 : i32
    %shift_right_logical3A_139 = vector.broadcast %shift_right_logical3A_138 : i32 to vector<16xi32>
    %shift_right_logical3A_140 = arith.shrui %get3A_137, %shift_right_logical3A_139 : vector<16xi32>
    %swap3A_141 = arith.constant 160 : index
    %swap3A_142 = tpu.vector_load %arg6[%swap3A_141] {strides = array<i32>} : memref<256xi32, #tpu.memory_space<vmem>>, vector<16xi32>,
    %swap3A_143 = vector.shape_cast %swap3A_142 : vector<16xi32> to vector<16xi32>
    %swap3A_144 = vector.shape_cast %shift_right_logical3A_140 : vector<16xi32> to vector<16xi32>
    tpu.vector_store %arg6[%swap3A_141], %swap3A_144 {strides = array<i32>} : memref<256xi32, #tpu.memory_space<vmem>>, vector<16xi32>,
    %get3A_145 = arith.constant 176 : index
    %get3A_146 = tpu.vector_load %arg5[%get3A_145] {strides = array<i32>} : memref<256xi32, #tpu.memory_space<vmem>>, vector<16xi32>,
    %get3A_147 = vector.shape_cast %get3A_146 : vector<16xi32> to vector<16xi32>
    %shift_right_logical3A_148 = arith.constant 5 : i32
    %shift_right_logical3A_149 = vector.broadcast %shift_right_logical3A_148 : i32 to vector<16xi32>
    %shift_right_logical3A_150 = arith.shrui %get3A_147, %shift_right_logical3A_149 : vector<16xi32>
    %swap3A_151 = arith.constant 176 : index
    %swap3A_152 = tpu.vector_load %arg6[%swap3A_151] {strides = array<i32>} : memref<256xi32, #tpu.memory_space<vmem>>, vector<16xi32>,
    %swap3A_153 = vector.shape_cast %swap3A_152 : vector<16xi32> to vector<16xi32>
    %swap3A_154 = vector.shape_cast %shift_right_logical3A_150 : vector<16xi32> to vector<16xi32>
    tpu.vector_store %arg6[%swap3A_151], %swap3A_154 {strides = array<i32>} : memref<256xi32, #tpu.memory_space<vmem>>, vector<16xi32>,
    %get3A_155 = arith.constant 192 : index
    %get3A_156 = tpu.vector_load %arg5[%get3A_155] {strides = array<i32>} : memref<256xi32, #tpu.memory_space<vmem>>, vector<16xi32>,
    %get3A_157 = vector.shape_cast %get3A_156 : vector<16xi32> to vector<16xi32>
    %shift_right_logical3A_158 = arith.constant 5 : i32
    %shift_right_logical3A_159 = vector.broadcast %shift_right_logical3A_158 : i32 to vector<16xi32>
    %shift_right_logical3A_160 = arith.shrui %get3A_157, %shift_right_logical3A_159 : vector<16xi32>
    %swap3A_161 = arith.constant 192 : index
    %swap3A_162 = tpu.vector_load %arg6[%swap3A_161] {strides = array<i32>} : memref<256xi32, #tpu.memory_space<vmem>>, vector<16xi32>,
    %swap3A_163 = vector.shape_cast %swap3A_162 : vector<16xi32> to vector<16xi32>
    %swap3A_164 = vector.shape_cast %shift_right_logical3A_160 : vector<16xi32> to vector<16xi32>
    tpu.vector_store %arg6[%swap3A_161], %swap3A_164 {strides = array<i32>} : memref<256xi32, #tpu.memory_space<vmem>>, vector<16xi32>,
    %get3A_165 = arith.constant 208 : index
    %get3A_166 = tpu.vector_load %arg5[%get3A_165] {strides = array<i32>} : memref<256xi32, #tpu.memory_space<vmem>>, vector<16xi32>,
    %get3A_167 = vector.shape_cast %get3A_166 : vector<16xi32> to vector<16xi32>
    %shift_right_logical3A_168 = arith.constant 5 : i32
    %shift_right_logical3A_169 = vector.broadcast %shift_right_logical3A_168 : i32 to vector<16xi32>
    %shift_right_logical3A_170 = arith.shrui %get3A_167, %shift_right_logical3A_169 : vector<16xi32>
    %swap3A_171 = arith.constant 208 : index
    %swap3A_172 = tpu.vector_load %arg6[%swap3A_171] {strides = array<i32>} : memref<256xi32, #tpu.memory_space<vmem>>, vector<16xi32>,
    %swap3A_173 = vector.shape_cast %swap3A_172 : vector<16xi32> to vector<16xi32>
    %swap3A_174 = vector.shape_cast %shift_right_logical3A_170 : vector<16xi32> to vector<16xi32>
    tpu.vector_store %arg6[%swap3A_171], %swap3A_174 {strides = array<i32>} : memref<256xi32, #tpu.memory_space<vmem>>, vector<16xi32>,
    %get3A_175 = arith.constant 224 : index
    %get3A_176 = tpu.vector_load %arg5[%get3A_175] {strides = array<i32>} : memref<256xi32, #tpu.memory_space<vmem>>, vector<16xi32>,
    %get3A_177 = vector.shape_cast %get3A_176 : vector<16xi32> to vector<16xi32>
    %shift_right_logical3A_178 = arith.constant 5 : i32
    %shift_right_logical3A_179 = vector.broadcast %shift_right_logical3A_178 : i32 to vector<16xi32>
    %shift_right_logical3A_180 = arith.shrui %get3A_177, %shift_right_logical3A_179 : vector<16xi32>
    %swap3A_181 = arith.constant 224 : index
    %swap3A_182 = tpu.vector_load %arg6[%swap3A_181] {strides = array<i32>} : memref<256xi32, #tpu.memory_space<vmem>>, vector<16xi32>,
    %swap3A_183 = vector.shape_cast %swap3A_182 : vector<16xi32> to vector<16xi32>
    %swap3A_184 = vector.shape_cast %shift_right_logical3A_180 : vector<16xi32> to vector<16xi32>
    tpu.vector_store %arg6[%swap3A_181], %swap3A_184 {strides = array<i32>} : memref<256xi32, #tpu.memory_space<vmem>>, vector<16xi32>,
    %get3A_185 = arith.constant 240 : index
    %get3A_186 = tpu.vector_load %arg5[%get3A_185] {strides = array<i32>} : memref<256xi32, #tpu.memory_space<vmem>>, vector<16xi32>,
    %get3A_187 = vector.shape_cast %get3A_186 : vector<16xi32> to vector<16xi32>
    %shift_right_logical3A_188 = arith.constant 5 : i32
    %shift_right_logical3A_189 = vector.broadcast %shift_right_logical3A_188 : i32 to vector<16xi32>
    %shift_right_logical3A_190 = arith.shrui %get3A_187, %shift_right_logical3A_189 : vector<16xi32>
    %swap3A_191 = arith.constant 240 : index
    %swap3A_192 = tpu.vector_load %arg6[%swap3A_191] {strides = array<i32>} : memref<256xi32, #tpu.memory_space<vmem>>, vector<16xi32>,
    %swap3A_193 = vector.shape_cast %swap3A_192 : vector<16xi32> to vector<16xi32>
    %swap3A_194 = vector.shape_cast %shift_right_logical3A_190 : vector<16xi32> to vector<16xi32>
    tpu.vector_store %arg6[%swap3A_191], %swap3A_194 {strides = array<i32>} : memref<256xi32, #tpu.memory_space<vmem>>, vector<16xi32>,
    %dma_start3A_195 = arith.constant 128 : i32
    %dma_start3A_196 = tpu.memref_slice %arg7[%dma_start3A_195] : memref<256xi32, #tpu.memory_space<vmem>> -> memref<128xi32, #tpu.memory_space<vmem>>
    %dma_start3A_197 = arith.constant 128 : i32
    %dma_start3A_198 = tpu.memref_slice %arg6[%dma_start3A_197] : memref<256xi32, #tpu.memory_space<vmem>> -> memref<128xi32, #tpu.memory_space<vmem>>
    %dma_start3A_199 = arith.constant 0 : i32
    %dma_start3A_200 = tpu.memref_slice %arg3[%dma_start3A_199] : memref<524288xi32, #tpu.memory_space<hbm>> -> memref<524288xi32, #tpu.memory_space<hbm>>
    tpu.enqueue_indirect_dma source(%dma_start3A_200 : memref<524288xi32, #tpu.memory_space<hbm>>) target(%dma_start3A_196 : memref<128xi32, #tpu.memory_space<vmem>>) offsets(%dma_start3A_198 : memref<128xi32, #tpu.memory_space<vmem>>) semaphore(%arg9 : memref<!tpu.dma_semaphore, #tpu.memory_space<semaphore_mem>>)
    %dma_wait3A = arith.constant 0 : i32
    %dma_wait3A_201 = tpu.memref_slice %arg7[%dma_wait3A] : memref<256xi32, #tpu.memory_space<vmem>> -> memref<128xi32, #tpu.memory_space<vmem>>
    %dma_wait3A_202 = arith.constant 0 : i32
    %dma_wait3A_203 = tpu.memref_slice %arg6[%dma_wait3A_202] : memref<256xi32, #tpu.memory_space<vmem>> -> memref<128xi32, #tpu.memory_space<vmem>>
    %dma_wait3A_204 = arith.constant 0 : i32
    %dma_wait3A_205 = tpu.memref_slice %arg3[%dma_wait3A_204] : memref<524288xi32, #tpu.memory_space<hbm>> -> memref<524288xi32, #tpu.memory_space<hbm>>
    tpu.wait_indirect_dma semaphore(%arg9 : memref<!tpu.dma_semaphore, #tpu.memory_space<semaphore_mem>>) src(%dma_wait3A_205 : memref<524288xi32, #tpu.memory_space<hbm>>) dst(%dma_wait3A_201 : memref<128xi32, #tpu.memory_space<vmem>>)
    %dma_wait3A_206 = arith.constant 128 : i32
    %dma_wait3A_207 = tpu.memref_slice %arg7[%dma_wait3A_206] : memref<256xi32, #tpu.memory_space<vmem>> -> memref<128xi32, #tpu.memory_space<vmem>>
    %dma_wait3A_208 = arith.constant 128 : i32
    %dma_wait3A_209 = tpu.memref_slice %arg6[%dma_wait3A_208] : memref<256xi32, #tpu.memory_space<vmem>> -> memref<128xi32, #tpu.memory_space<vmem>>
    %dma_wait3A_210 = arith.constant 0 : i32
    %dma_wait3A_211 = tpu.memref_slice %arg3[%dma_wait3A_210] : memref<524288xi32, #tpu.memory_space<hbm>> -> memref<524288xi32, #tpu.memory_space<hbm>>
    tpu.wait_indirect_dma semaphore(%arg9 : memref<!tpu.dma_semaphore, #tpu.memory_space<semaphore_mem>>) src(%dma_wait3A_211 : memref<524288xi32, #tpu.memory_space<hbm>>) dst(%dma_wait3A_207 : memref<128xi32, #tpu.memory_space<vmem>>)
    %get3A_212 = arith.constant 0 : index
    %get3A_213 = tpu.vector_load %arg7[%get3A_212] {strides = array<i32>} : memref<256xi32, #tpu.memory_space<vmem>>, vector<16xi32>,
    %get3A_214 = vector.shape_cast %get3A_213 : vector<16xi32> to vector<16xi32>
    %get3A_215 = arith.constant 0 : index
    %get3A_216 = tpu.vector_load %arg5[%get3A_215] {strides = array<i32>} : memref<256xi32, #tpu.memory_space<vmem>>, vector<16xi32>,
    %get3A_217 = vector.shape_cast %get3A_216 : vector<16xi32> to vector<16xi32>
    %and3A_218 = arith.constant 31 : i32
    %and3A_219 = vector.broadcast %and3A_218 : i32 to vector<16xi32>
    %and3A_220 = arith.andi %get3A_217, %and3A_219 : vector<16xi32>
    %shift_right_logical3A_221 = arith.shrui %get3A_214, %and3A_220 : vector<16xi32>
    %and3A_222 = arith.constant 1 : i32
    %and3A_223 = vector.broadcast %and3A_222 : i32 to vector<16xi32>
    %and3A_224 = arith.andi %shift_right_logical3A_221, %and3A_223 : vector<16xi32>
    %swap3A_225 = arith.constant 0 : index
    %swap3A_226 = tpu.vector_load %arg8[%swap3A_225] {strides = array<i32>} : memref<256xi32, #tpu.memory_space<vmem>>, vector<16xi32>,
    %swap3A_227 = vector.shape_cast %swap3A_226 : vector<16xi32> to vector<16xi32>
    %swap3A_228 = vector.shape_cast %and3A_224 : vector<16xi32> to vector<16xi32>
    tpu.vector_store %arg8[%swap3A_225], %swap3A_228 {strides = array<i32>} : memref<256xi32, #tpu.memory_space<vmem>>, vector<16xi32>,
    %get3A_229 = arith.constant 16 : index
    %get3A_230 = tpu.vector_load %arg7[%get3A_229] {strides = array<i32>} : memref<256xi32, #tpu.memory_space<vmem>>, vector<16xi32>,
    %get3A_231 = vector.shape_cast %get3A_230 : vector<16xi32> to vector<16xi32>
    %get3A_232 = arith.constant 16 : index
    %get3A_233 = tpu.vector_load %arg5[%get3A_232] {strides = array<i32>} : memref<256xi32, #tpu.memory_space<vmem>>, vector<16xi32>,
    %get3A_234 = vector.shape_cast %get3A_233 : vector<16xi32> to vector<16xi32>
    %and3A_235 = arith.constant 31 : i32
    %and3A_236 = vector.broadcast %and3A_235 : i32 to vector<16xi32>
    %and3A_237 = arith.andi %get3A_234, %and3A_236 : vector<16xi32>
    %shift_right_logical3A_238 = arith.shrui %get3A_231, %and3A_237 : vector<16xi32>
    %and3A_239 = arith.constant 1 : i32
    %and3A_240 = vector.broadcast %and3A_239 : i32 to vector<16xi32>
    %and3A_241 = arith.andi %shift_right_logical3A_238, %and3A_240 : vector<16xi32>
    %swap3A_242 = arith.constant 16 : index
    %swap3A_243 = tpu.vector_load %arg8[%swap3A_242] {strides = array<i32>} : memref<256xi32, #tpu.memory_space<vmem>>, vector<16xi32>,
    %swap3A_244 = vector.shape_cast %swap3A_243 : vector<16xi32> to vector<16xi32>
    %swap3A_245 = vector.shape_cast %and3A_241 : vector<16xi32> to vector<16xi32>
    tpu.vector_store %arg8[%swap3A_242], %swap3A_245 {strides = array<i32>} : memref<256xi32, #tpu.memory_space<vmem>>, vector<16xi32>,
    %get3A_246 = arith.constant 32 : index
    %get3A_247 = tpu.vector_load %arg7[%get3A_246] {strides = array<i32>} : memref<256xi32, #tpu.memory_space<vmem>>, vector<16xi32>,
    %get3A_248 = vector.shape_cast %get3A_247 : vector<16xi32> to vector<16xi32>
    %get3A_249 = arith.constant 32 : index
    %get3A_250 = tpu.vector_load %arg5[%get3A_249] {strides = array<i32>} : memref<256xi32, #tpu.memory_space<vmem>>, vector<16xi32>,
    %get3A_251 = vector.shape_cast %get3A_250 : vector<16xi32> to vector<16xi32>
    %and3A_252 = arith.constant 31 : i32
    %and3A_253 = vector.broadcast %and3A_252 : i32 to vector<16xi32>
    %and3A_254 = arith.andi %get3A_251, %and3A_253 : vector<16xi32>
    %shift_right_logical3A_255 = arith.shrui %get3A_248, %and3A_254 : vector<16xi32>
    %and3A_256 = arith.constant 1 : i32
    %and3A_257 = vector.broadcast %and3A_256 : i32 to vector<16xi32>
    %and3A_258 = arith.andi %shift_right_logical3A_255, %and3A_257 : vector<16xi32>
    %swap3A_259 = arith.constant 32 : index
    %swap3A_260 = tpu.vector_load %arg8[%swap3A_259] {strides = array<i32>} : memref<256xi32, #tpu.memory_space<vmem>>, vector<16xi32>,
    %swap3A_261 = vector.shape_cast %swap3A_260 : vector<16xi32> to vector<16xi32>
    %swap3A_262 = vector.shape_cast %and3A_258 : vector<16xi32> to vector<16xi32>
    tpu.vector_store %arg8[%swap3A_259], %swap3A_262 {strides = array<i32>} : memref<256xi32, #tpu.memory_space<vmem>>, vector<16xi32>,
    %get3A_263 = arith.constant 48 : index
    %get3A_264 = tpu.vector_load %arg7[%get3A_263] {strides = array<i32>} : memref<256xi32, #tpu.memory_space<vmem>>, vector<16xi32>,
    %get3A_265 = vector.shape_cast %get3A_264 : vector<16xi32> to vector<16xi32>
    %get3A_266 = arith.constant 48 : index
    %get3A_267 = tpu.vector_load %arg5[%get3A_266] {strides = array<i32>} : memref<256xi32, #tpu.memory_space<vmem>>, vector<16xi32>,
    %get3A_268 = vector.shape_cast %get3A_267 : vector<16xi32> to vector<16xi32>
    %and3A_269 = arith.constant 31 : i32
    %and3A_270 = vector.broadcast %and3A_269 : i32 to vector<16xi32>
    %and3A_271 = arith.andi %get3A_268, %and3A_270 : vector<16xi32>
    %shift_right_logical3A_272 = arith.shrui %get3A_265, %and3A_271 : vector<16xi32>
    %and3A_273 = arith.constant 1 : i32
    %and3A_274 = vector.broadcast %and3A_273 : i32 to vector<16xi32>
    %and3A_275 = arith.andi %shift_right_logical3A_272, %and3A_274 : vector<16xi32>
    %swap3A_276 = arith.constant 48 : index
    %swap3A_277 = tpu.vector_load %arg8[%swap3A_276] {strides = array<i32>} : memref<256xi32, #tpu.memory_space<vmem>>, vector<16xi32>,
    %swap3A_278 = vector.shape_cast %swap3A_277 : vector<16xi32> to vector<16xi32>
    %swap3A_279 = vector.shape_cast %and3A_275 : vector<16xi32> to vector<16xi32>
    tpu.vector_store %arg8[%swap3A_276], %swap3A_279 {strides = array<i32>} : memref<256xi32, #tpu.memory_space<vmem>>, vector<16xi32>,
    %get3A_280 = arith.constant 64 : index
    %get3A_281 = tpu.vector_load %arg7[%get3A_280] {strides = array<i32>} : memref<256xi32, #tpu.memory_space<vmem>>, vector<16xi32>,
    %get3A_282 = vector.shape_cast %get3A_281 : vector<16xi32> to vector<16xi32>
    %get3A_283 = arith.constant 64 : index
    %get3A_284 = tpu.vector_load %arg5[%get3A_283] {strides = array<i32>} : memref<256xi32, #tpu.memory_space<vmem>>, vector<16xi32>,
    %get3A_285 = vector.shape_cast %get3A_284 : vector<16xi32> to vector<16xi32>
    %and3A_286 = arith.constant 31 : i32
    %and3A_287 = vector.broadcast %and3A_286 : i32 to vector<16xi32>
    %and3A_288 = arith.andi %get3A_285, %and3A_287 : vector<16xi32>
    %shift_right_logical3A_289 = arith.shrui %get3A_282, %and3A_288 : vector<16xi32>
    %and3A_290 = arith.constant 1 : i32
    %and3A_291 = vector.broadcast %and3A_290 : i32 to vector<16xi32>
    %and3A_292 = arith.andi %shift_right_logical3A_289, %and3A_291 : vector<16xi32>
    %swap3A_293 = arith.constant 64 : index
    %swap3A_294 = tpu.vector_load %arg8[%swap3A_293] {strides = array<i32>} : memref<256xi32, #tpu.memory_space<vmem>>, vector<16xi32>,
    %swap3A_295 = vector.shape_cast %swap3A_294 : vector<16xi32> to vector<16xi32>
    %swap3A_296 = vector.shape_cast %and3A_292 : vector<16xi32> to vector<16xi32>
    tpu.vector_store %arg8[%swap3A_293], %swap3A_296 {strides = array<i32>} : memref<256xi32, #tpu.memory_space<vmem>>, vector<16xi32>,
    %get3A_297 = arith.constant 80 : index
    %get3A_298 = tpu.vector_load %arg7[%get3A_297] {strides = array<i32>} : memref<256xi32, #tpu.memory_space<vmem>>, vector<16xi32>,
    %get3A_299 = vector.shape_cast %get3A_298 : vector<16xi32> to vector<16xi32>
    %get3A_300 = arith.constant 80 : index
    %get3A_301 = tpu.vector_load %arg5[%get3A_300] {strides = array<i32>} : memref<256xi32, #tpu.memory_space<vmem>>, vector<16xi32>,
    %get3A_302 = vector.shape_cast %get3A_301 : vector<16xi32> to vector<16xi32>
    %and3A_303 = arith.constant 31 : i32
    %and3A_304 = vector.broadcast %and3A_303 : i32 to vector<16xi32>
    %and3A_305 = arith.andi %get3A_302, %and3A_304 : vector<16xi32>
    %shift_right_logical3A_306 = arith.shrui %get3A_299, %and3A_305 : vector<16xi32>
    %and3A_307 = arith.constant 1 : i32
    %and3A_308 = vector.broadcast %and3A_307 : i32 to vector<16xi32>
    %and3A_309 = arith.andi %shift_right_logical3A_306, %and3A_308 : vector<16xi32>
    %swap3A_310 = arith.constant 80 : index
    %swap3A_311 = tpu.vector_load %arg8[%swap3A_310] {strides = array<i32>} : memref<256xi32, #tpu.memory_space<vmem>>, vector<16xi32>,
    %swap3A_312 = vector.shape_cast %swap3A_311 : vector<16xi32> to vector<16xi32>
    %swap3A_313 = vector.shape_cast %and3A_309 : vector<16xi32> to vector<16xi32>
    tpu.vector_store %arg8[%swap3A_310], %swap3A_313 {strides = array<i32>} : memref<256xi32, #tpu.memory_space<vmem>>, vector<16xi32>,
    %get3A_314 = arith.constant 96 : index
    %get3A_315 = tpu.vector_load %arg7[%get3A_314] {strides = array<i32>} : memref<256xi32, #tpu.memory_space<vmem>>, vector<16xi32>,
    %get3A_316 = vector.shape_cast %get3A_315 : vector<16xi32> to vector<16xi32>
    %get3A_317 = arith.constant 96 : index
    %get3A_318 = tpu.vector_load %arg5[%get3A_317] {strides = array<i32>} : memref<256xi32, #tpu.memory_space<vmem>>, vector<16xi32>,
    %get3A_319 = vector.shape_cast %get3A_318 : vector<16xi32> to vector<16xi32>
    %and3A_320 = arith.constant 31 : i32
    %and3A_321 = vector.broadcast %and3A_320 : i32 to vector<16xi32>
    %and3A_322 = arith.andi %get3A_319, %and3A_321 : vector<16xi32>
    %shift_right_logical3A_323 = arith.shrui %get3A_316, %and3A_322 : vector<16xi32>
    %and3A_324 = arith.constant 1 : i32
    %and3A_325 = vector.broadcast %and3A_324 : i32 to vector<16xi32>
    %and3A_326 = arith.andi %shift_right_logical3A_323, %and3A_325 : vector<16xi32>
    %swap3A_327 = arith.constant 96 : index
    %swap3A_328 = tpu.vector_load %arg8[%swap3A_327] {strides = array<i32>} : memref<256xi32, #tpu.memory_space<vmem>>, vector<16xi32>,
    %swap3A_329 = vector.shape_cast %swap3A_328 : vector<16xi32> to vector<16xi32>
    %swap3A_330 = vector.shape_cast %and3A_326 : vector<16xi32> to vector<16xi32>
    tpu.vector_store %arg8[%swap3A_327], %swap3A_330 {strides = array<i32>} : memref<256xi32, #tpu.memory_space<vmem>>, vector<16xi32>,
    %get3A_331 = arith.constant 112 : index
    %get3A_332 = tpu.vector_load %arg7[%get3A_331] {strides = array<i32>} : memref<256xi32, #tpu.memory_space<vmem>>, vector<16xi32>,
    %get3A_333 = vector.shape_cast %get3A_332 : vector<16xi32> to vector<16xi32>
    %get3A_334 = arith.constant 112 : index
    %get3A_335 = tpu.vector_load %arg5[%get3A_334] {strides = array<i32>} : memref<256xi32, #tpu.memory_space<vmem>>, vector<16xi32>,
    %get3A_336 = vector.shape_cast %get3A_335 : vector<16xi32> to vector<16xi32>
    %and3A_337 = arith.constant 31 : i32
    %and3A_338 = vector.broadcast %and3A_337 : i32 to vector<16xi32>
    %and3A_339 = arith.andi %get3A_336, %and3A_338 : vector<16xi32>
    %shift_right_logical3A_340 = arith.shrui %get3A_333, %and3A_339 : vector<16xi32>
    %and3A_341 = arith.constant 1 : i32
    %and3A_342 = vector.broadcast %and3A_341 : i32 to vector<16xi32>
    %and3A_343 = arith.andi %shift_right_logical3A_340, %and3A_342 : vector<16xi32>
    %swap3A_344 = arith.constant 112 : index
    %swap3A_345 = tpu.vector_load %arg8[%swap3A_344] {strides = array<i32>} : memref<256xi32, #tpu.memory_space<vmem>>, vector<16xi32>,
    %swap3A_346 = vector.shape_cast %swap3A_345 : vector<16xi32> to vector<16xi32>
    %swap3A_347 = vector.shape_cast %and3A_343 : vector<16xi32> to vector<16xi32>
    tpu.vector_store %arg8[%swap3A_344], %swap3A_347 {strides = array<i32>} : memref<256xi32, #tpu.memory_space<vmem>>, vector<16xi32>,
    %get3A_348 = arith.constant 128 : index
    %get3A_349 = tpu.vector_load %arg7[%get3A_348] {strides = array<i32>} : memref<256xi32, #tpu.memory_space<vmem>>, vector<16xi32>,
    %get3A_350 = vector.shape_cast %get3A_349 : vector<16xi32> to vector<16xi32>
    %get3A_351 = arith.constant 128 : index
    %get3A_352 = tpu.vector_load %arg5[%get3A_351] {strides = array<i32>} : memref<256xi32, #tpu.memory_space<vmem>>, vector<16xi32>,
    %get3A_353 = vector.shape_cast %get3A_352 : vector<16xi32> to vector<16xi32>
    %and3A_354 = arith.constant 31 : i32
    %and3A_355 = vector.broadcast %and3A_354 : i32 to vector<16xi32>
    %and3A_356 = arith.andi %get3A_353, %and3A_355 : vector<16xi32>
    %shift_right_logical3A_357 = arith.shrui %get3A_350, %and3A_356 : vector<16xi32>
    %and3A_358 = arith.constant 1 : i32
    %and3A_359 = vector.broadcast %and3A_358 : i32 to vector<16xi32>
    %and3A_360 = arith.andi %shift_right_logical3A_357, %and3A_359 : vector<16xi32>
    %swap3A_361 = arith.constant 128 : index
    %swap3A_362 = tpu.vector_load %arg8[%swap3A_361] {strides = array<i32>} : memref<256xi32, #tpu.memory_space<vmem>>, vector<16xi32>,
    %swap3A_363 = vector.shape_cast %swap3A_362 : vector<16xi32> to vector<16xi32>
    %swap3A_364 = vector.shape_cast %and3A_360 : vector<16xi32> to vector<16xi32>
    tpu.vector_store %arg8[%swap3A_361], %swap3A_364 {strides = array<i32>} : memref<256xi32, #tpu.memory_space<vmem>>, vector<16xi32>,
    %get3A_365 = arith.constant 144 : index
    %get3A_366 = tpu.vector_load %arg7[%get3A_365] {strides = array<i32>} : memref<256xi32, #tpu.memory_space<vmem>>, vector<16xi32>,
    %get3A_367 = vector.shape_cast %get3A_366 : vector<16xi32> to vector<16xi32>
    %get3A_368 = arith.constant 144 : index
    %get3A_369 = tpu.vector_load %arg5[%get3A_368] {strides = array<i32>} : memref<256xi32, #tpu.memory_space<vmem>>, vector<16xi32>,
    %get3A_370 = vector.shape_cast %get3A_369 : vector<16xi32> to vector<16xi32>
    %and3A_371 = arith.constant 31 : i32
    %and3A_372 = vector.broadcast %and3A_371 : i32 to vector<16xi32>
    %and3A_373 = arith.andi %get3A_370, %and3A_372 : vector<16xi32>
    %shift_right_logical3A_374 = arith.shrui %get3A_367, %and3A_373 : vector<16xi32>
    %and3A_375 = arith.constant 1 : i32
    %and3A_376 = vector.broadcast %and3A_375 : i32 to vector<16xi32>
    %and3A_377 = arith.andi %shift_right_logical3A_374, %and3A_376 : vector<16xi32>
    %swap3A_378 = arith.constant 144 : index
    %swap3A_379 = tpu.vector_load %arg8[%swap3A_378] {strides = array<i32>} : memref<256xi32, #tpu.memory_space<vmem>>, vector<16xi32>,
    %swap3A_380 = vector.shape_cast %swap3A_379 : vector<16xi32> to vector<16xi32>
    %swap3A_381 = vector.shape_cast %and3A_377 : vector<16xi32> to vector<16xi32>
    tpu.vector_store %arg8[%swap3A_378], %swap3A_381 {strides = array<i32>} : memref<256xi32, #tpu.memory_space<vmem>>, vector<16xi32>,
    %get3A_382 = arith.constant 160 : index
    %get3A_383 = tpu.vector_load %arg7[%get3A_382] {strides = array<i32>} : memref<256xi32, #tpu.memory_space<vmem>>, vector<16xi32>,
    %get3A_384 = vector.shape_cast %get3A_383 : vector<16xi32> to vector<16xi32>
    %get3A_385 = arith.constant 160 : index
    %get3A_386 = tpu.vector_load %arg5[%get3A_385] {strides = array<i32>} : memref<256xi32, #tpu.memory_space<vmem>>, vector<16xi32>,
    %get3A_387 = vector.shape_cast %get3A_386 : vector<16xi32> to vector<16xi32>
    %and3A_388 = arith.constant 31 : i32
    %and3A_389 = vector.broadcast %and3A_388 : i32 to vector<16xi32>
    %and3A_390 = arith.andi %get3A_387, %and3A_389 : vector<16xi32>
    %shift_right_logical3A_391 = arith.shrui %get3A_384, %and3A_390 : vector<16xi32>
    %and3A_392 = arith.constant 1 : i32
    %and3A_393 = vector.broadcast %and3A_392 : i32 to vector<16xi32>
    %and3A_394 = arith.andi %shift_right_logical3A_391, %and3A_393 : vector<16xi32>
    %swap3A_395 = arith.constant 160 : index
    %swap3A_396 = tpu.vector_load %arg8[%swap3A_395] {strides = array<i32>} : memref<256xi32, #tpu.memory_space<vmem>>, vector<16xi32>,
    %swap3A_397 = vector.shape_cast %swap3A_396 : vector<16xi32> to vector<16xi32>
    %swap3A_398 = vector.shape_cast %and3A_394 : vector<16xi32> to vector<16xi32>
    tpu.vector_store %arg8[%swap3A_395], %swap3A_398 {strides = array<i32>} : memref<256xi32, #tpu.memory_space<vmem>>, vector<16xi32>,
    %get3A_399 = arith.constant 176 : index
    %get3A_400 = tpu.vector_load %arg7[%get3A_399] {strides = array<i32>} : memref<256xi32, #tpu.memory_space<vmem>>, vector<16xi32>,
    %get3A_401 = vector.shape_cast %get3A_400 : vector<16xi32> to vector<16xi32>
    %get3A_402 = arith.constant 176 : index
    %get3A_403 = tpu.vector_load %arg5[%get3A_402] {strides = array<i32>} : memref<256xi32, #tpu.memory_space<vmem>>, vector<16xi32>,
    %get3A_404 = vector.shape_cast %get3A_403 : vector<16xi32> to vector<16xi32>
    %and3A_405 = arith.constant 31 : i32
    %and3A_406 = vector.broadcast %and3A_405 : i32 to vector<16xi32>
    %and3A_407 = arith.andi %get3A_404, %and3A_406 : vector<16xi32>
    %shift_right_logical3A_408 = arith.shrui %get3A_401, %and3A_407 : vector<16xi32>
    %and3A_409 = arith.constant 1 : i32
    %and3A_410 = vector.broadcast %and3A_409 : i32 to vector<16xi32>
    %and3A_411 = arith.andi %shift_right_logical3A_408, %and3A_410 : vector<16xi32>
    %swap3A_412 = arith.constant 176 : index
    %swap3A_413 = tpu.vector_load %arg8[%swap3A_412] {strides = array<i32>} : memref<256xi32, #tpu.memory_space<vmem>>, vector<16xi32>,
    %swap3A_414 = vector.shape_cast %swap3A_413 : vector<16xi32> to vector<16xi32>
    %swap3A_415 = vector.shape_cast %and3A_411 : vector<16xi32> to vector<16xi32>
    tpu.vector_store %arg8[%swap3A_412], %swap3A_415 {strides = array<i32>} : memref<256xi32, #tpu.memory_space<vmem>>, vector<16xi32>,
    %get3A_416 = arith.constant 192 : index
    %get3A_417 = tpu.vector_load %arg7[%get3A_416] {strides = array<i32>} : memref<256xi32, #tpu.memory_space<vmem>>, vector<16xi32>,
    %get3A_418 = vector.shape_cast %get3A_417 : vector<16xi32> to vector<16xi32>
    %get3A_419 = arith.constant 192 : index
    %get3A_420 = tpu.vector_load %arg5[%get3A_419] {strides = array<i32>} : memref<256xi32, #tpu.memory_space<vmem>>, vector<16xi32>,
    %get3A_421 = vector.shape_cast %get3A_420 : vector<16xi32> to vector<16xi32>
    %and3A_422 = arith.constant 31 : i32
    %and3A_423 = vector.broadcast %and3A_422 : i32 to vector<16xi32>
    %and3A_424 = arith.andi %get3A_421, %and3A_423 : vector<16xi32>
    %shift_right_logical3A_425 = arith.shrui %get3A_418, %and3A_424 : vector<16xi32>
    %and3A_426 = arith.constant 1 : i32
    %and3A_427 = vector.broadcast %and3A_426 : i32 to vector<16xi32>
    %and3A_428 = arith.andi %shift_right_logical3A_425, %and3A_427 : vector<16xi32>
    %swap3A_429 = arith.constant 192 : index
    %swap3A_430 = tpu.vector_load %arg8[%swap3A_429] {strides = array<i32>} : memref<256xi32, #tpu.memory_space<vmem>>, vector<16xi32>,
    %swap3A_431 = vector.shape_cast %swap3A_430 : vector<16xi32> to vector<16xi32>
    %swap3A_432 = vector.shape_cast %and3A_428 : vector<16xi32> to vector<16xi32>
    tpu.vector_store %arg8[%swap3A_429], %swap3A_432 {strides = array<i32>} : memref<256xi32, #tpu.memory_space<vmem>>, vector<16xi32>,
    %get3A_433 = arith.constant 208 : index
    %get3A_434 = tpu.vector_load %arg7[%get3A_433] {strides = array<i32>} : memref<256xi32, #tpu.memory_space<vmem>>, vector<16xi32>,
    %get3A_435 = vector.shape_cast %get3A_434 : vector<16xi32> to vector<16xi32>
    %get3A_436 = arith.constant 208 : index
    %get3A_437 = tpu.vector_load %arg5[%get3A_436] {strides = array<i32>} : memref<256xi32, #tpu.memory_space<vmem>>, vector<16xi32>,
    %get3A_438 = vector.shape_cast %get3A_437 : vector<16xi32> to vector<16xi32>
    %and3A_439 = arith.constant 31 : i32
    %and3A_440 = vector.broadcast %and3A_439 : i32 to vector<16xi32>
    %and3A_441 = arith.andi %get3A_438, %and3A_440 : vector<16xi32>
    %shift_right_logical3A_442 = arith.shrui %get3A_435, %and3A_441 : vector<16xi32>
    %and3A_443 = arith.constant 1 : i32
    %and3A_444 = vector.broadcast %and3A_443 : i32 to vector<16xi32>
    %and3A_445 = arith.andi %shift_right_logical3A_442, %and3A_444 : vector<16xi32>
    %swap3A_446 = arith.constant 208 : index
    %swap3A_447 = tpu.vector_load %arg8[%swap3A_446] {strides = array<i32>} : memref<256xi32, #tpu.memory_space<vmem>>, vector<16xi32>,
    %swap3A_448 = vector.shape_cast %swap3A_447 : vector<16xi32> to vector<16xi32>
    %swap3A_449 = vector.shape_cast %and3A_445 : vector<16xi32> to vector<16xi32>
    tpu.vector_store %arg8[%swap3A_446], %swap3A_449 {strides = array<i32>} : memref<256xi32, #tpu.memory_space<vmem>>, vector<16xi32>,
    %get3A_450 = arith.constant 224 : index
    %get3A_451 = tpu.vector_load %arg7[%get3A_450] {strides = array<i32>} : memref<256xi32, #tpu.memory_space<vmem>>, vector<16xi32>,
    %get3A_452 = vector.shape_cast %get3A_451 : vector<16xi32> to vector<16xi32>
    %get3A_453 = arith.constant 224 : index
    %get3A_454 = tpu.vector_load %arg5[%get3A_453] {strides = array<i32>} : memref<256xi32, #tpu.memory_space<vmem>>, vector<16xi32>,
    %get3A_455 = vector.shape_cast %get3A_454 : vector<16xi32> to vector<16xi32>
    %and3A_456 = arith.constant 31 : i32
    %and3A_457 = vector.broadcast %and3A_456 : i32 to vector<16xi32>
    %and3A_458 = arith.andi %get3A_455, %and3A_457 : vector<16xi32>
    %shift_right_logical3A_459 = arith.shrui %get3A_452, %and3A_458 : vector<16xi32>
    %and3A_460 = arith.constant 1 : i32
    %and3A_461 = vector.broadcast %and3A_460 : i32 to vector<16xi32>
    %and3A_462 = arith.andi %shift_right_logical3A_459, %and3A_461 : vector<16xi32>
    %swap3A_463 = arith.constant 224 : index
    %swap3A_464 = tpu.vector_load %arg8[%swap3A_463] {strides = array<i32>} : memref<256xi32, #tpu.memory_space<vmem>>, vector<16xi32>,
    %swap3A_465 = vector.shape_cast %swap3A_464 : vector<16xi32> to vector<16xi32>
    %swap3A_466 = vector.shape_cast %and3A_462 : vector<16xi32> to vector<16xi32>
    tpu.vector_store %arg8[%swap3A_463], %swap3A_466 {strides = array<i32>} : memref<256xi32, #tpu.memory_space<vmem>>, vector<16xi32>,
    %get3A_467 = arith.constant 240 : index
    %get3A_468 = tpu.vector_load %arg7[%get3A_467] {strides = array<i32>} : memref<256xi32, #tpu.memory_space<vmem>>, vector<16xi32>,
    %get3A_469 = vector.shape_cast %get3A_468 : vector<16xi32> to vector<16xi32>
    %get3A_470 = arith.constant 240 : index
    %get3A_471 = tpu.vector_load %arg5[%get3A_470] {strides = array<i32>} : memref<256xi32, #tpu.memory_space<vmem>>, vector<16xi32>,
    %get3A_472 = vector.shape_cast %get3A_471 : vector<16xi32> to vector<16xi32>
    %and3A_473 = arith.constant 31 : i32
    %and3A_474 = vector.broadcast %and3A_473 : i32 to vector<16xi32>
    %and3A_475 = arith.andi %get3A_472, %and3A_474 : vector<16xi32>
    %shift_right_logical3A_476 = arith.shrui %get3A_469, %and3A_475 : vector<16xi32>
    %and3A_477 = arith.constant 1 : i32
    %and3A_478 = vector.broadcast %and3A_477 : i32 to vector<16xi32>
    %and3A_479 = arith.andi %shift_right_logical3A_476, %and3A_478 : vector<16xi32>
    %swap3A_480 = arith.constant 240 : index
    %swap3A_481 = tpu.vector_load %arg8[%swap3A_480] {strides = array<i32>} : memref<256xi32, #tpu.memory_space<vmem>>, vector<16xi32>,
    %swap3A_482 = vector.shape_cast %swap3A_481 : vector<16xi32> to vector<16xi32>
    %swap3A_483 = vector.shape_cast %and3A_479 : vector<16xi32> to vector<16xi32>
    tpu.vector_store %arg8[%swap3A_480], %swap3A_483 {strides = array<i32>} : memref<256xi32, #tpu.memory_space<vmem>>, vector<16xi32>,
    "tpu.region"() ({
      %run_scoped3A_484 = tpu.sem_alloc : memref<!tpu.dma_semaphore, #tpu.memory_space<semaphore_mem>>
      %dma_start3A_485 = tpu.memref_slice %arg4[%mul3A_2] : memref<8192xi32, #tpu.memory_space<hbm>> -> memref<256xi32, #tpu.memory_space<hbm>>
      %dma_start3A_486 = tpu.memref_slice %arg4[%mul3A_2] : memref<8192xi32, #tpu.memory_space<hbm>> -> memref<256xi32, #tpu.memory_space<hbm>>
      tpu.enqueue_dma source(%arg8 : memref<256xi32, #tpu.memory_space<vmem>>) target(%dma_start3A_486 : memref<256xi32, #tpu.memory_space<hbm>>) target_semaphore(%run_scoped3A_484 : memref<!tpu.dma_semaphore, #tpu.memory_space<semaphore_mem>>)
      %dma_wait3A_487 = tpu.memref_slice %arg4[%mul3A_2] : memref<8192xi32, #tpu.memory_space<hbm>> -> memref<256xi32, #tpu.memory_space<hbm>>
      %dma_wait3A_488 = tpu.memref_slice %arg4[%mul3A_2] : memref<8192xi32, #tpu.memory_space<hbm>> -> memref<256xi32, #tpu.memory_space<hbm>>
      tpu.wait_dma2 semaphore(%run_scoped3A_484 : memref<!tpu.dma_semaphore, #tpu.memory_space<semaphore_mem>>) src(%arg8 : memref<256xi32, #tpu.memory_space<vmem>>) dst(%dma_wait3A_488 : memref<256xi32, #tpu.memory_space<hbm>>)
      tpu.yield
    }) : () -> ()
    return
  }
}

#map = affine_map<(d0, d1) -> (0, 0, 0)>
#map1 = affine_map<(d0, d1) -> (0)>
module attributes {stable_mosaic.version = 14 : i64} {
  func.func @_lookup_sc_body(%arg0: i32, %arg1: i32, %arg2: memref<2x1x4096xi32, #tpu.memory_space<hbm>>, %arg3: memref<524288xi32, #tpu.memory_space<hbm>>, %arg4: memref<8192xi32, #tpu.memory_space<hbm>>, %arg5: memref<256xi32, #tpu.memory_space<vmem>>, %arg6: memref<256xi32, #tpu.memory_space<vmem>>, %arg7: memref<256xi32, #tpu.memory_space<vmem>>, %arg8: memref<256xi32, #tpu.memory_space<vmem>>, %arg9: memref<!tpu.dma_semaphore, #tpu.memory_space<semaphore_mem>>) attributes {dimension_semantics = [#tpu.dimension_semantics<core_parallel>, #tpu.dimension_semantics<subcore_parallel>], iteration_bounds = array<i64: 2, 16>, scalar_prefetch = 0 : i64, scratch_operands = 5 : i64, tpu.core_type = #tpu.core_type<sc_vector_subcore>, window_params = [{transform_indices = #map}, {transform_indices = #map1}, {transform_indices = #map1}]} {
    %mul3A = arith.constant 2 : i32
    %mul3A_0 = arith.muli %arg1, %mul3A : i32
    %add3A = arith.addi %mul3A_0, %arg0 : i32
    %mul3A_1 = arith.constant 256 : i32
    %mul3A_2 = arith.muli %add3A, %mul3A_1 : i32
    %jit3A = arith.constant 4096 : i32
    %div3A = arith.divsi %mul3A_2, %jit3A : i32
    %sign3A = arith.constant 0 : i32
    %sign3A_3 = arith.cmpi sgt, %mul3A_2, %sign3A : i32
    %sign3A_4 = arith.extui %sign3A_3 : i1 to i32
    %sign3A_5 = arith.constant 0 : i32
    %sign3A_6 = arith.cmpi slt, %mul3A_2, %sign3A_5 : i32
    %sign3A_7 = arith.extui %sign3A_6 : i1 to i32
    %sign3A_8 = arith.subi %sign3A_4, %sign3A_7 : i32
    %sign3A_9 = arith.constant 0 : i32
    %sign3A_10 = arith.cmpi sgt, %jit3A, %sign3A_9 : i32
    %sign3A_11 = arith.extui %sign3A_10 : i1 to i32
    %sign3A_12 = arith.constant 0 : i32
    %sign3A_13 = arith.cmpi slt, %jit3A, %sign3A_12 : i32
    %sign3A_14 = arith.extui %sign3A_13 : i1 to i32
    %sign3A_15 = arith.subi %sign3A_11, %sign3A_14 : i32
    %ne3A = arith.cmpi ne, %sign3A_8, %sign3A_15 : i32
    %rem3A = arith.remsi %mul3A_2, %jit3A : i32
    %ne3A_16 = arith.constant 0 : i32
    %ne3A_17 = arith.cmpi ne, %rem3A, %ne3A_16 : i32
    %and3A = arith.andi %ne3A, %ne3A_17 : i1
    %sub3A = arith.constant 1 : i32
    %sub3A_18 = arith.subi %div3A, %sub3A : i32
    %select_n3A = arith.select %and3A, %sub3A_18, %div3A : i32
    %jit3A_19 = arith.constant 4096 : i32
    %eq3A = arith.constant 0 : i32
    %eq3A_20 = arith.cmpi eq, %jit3A_19, %eq3A : i32
    %jit3A_21 = arith.constant 1 : i32
    %select_n3A_22 = arith.select %eq3A_20, %jit3A_21, %jit3A_19 : i32
    %rem3A_23 = arith.remsi %mul3A_2, %select_n3A_22 : i32
    %ne3A_24 = arith.constant 0 : i32
    %ne3A_25 = arith.cmpi ne, %rem3A_23, %ne3A_24 : i32
    %lt3A = arith.constant 0 : i32
    %lt3A_26 = arith.cmpi slt, %rem3A_23, %lt3A : i32
    %lt3A_27 = arith.constant 0 : i32
    %lt3A_28 = arith.cmpi slt, %select_n3A_22, %lt3A_27 : i32
    %ne3A_29 = arith.xori %lt3A_26, %lt3A_28 : i1
    %and3A_30 = arith.andi %ne3A_29, %ne3A_25 : i1
    %add3A_31 = arith.addi %rem3A_23, %select_n3A_22 : i32
    %select_n3A_32 = arith.select %and3A_30, %add3A_31, %rem3A_23 : i32
    %run_scoped3A = arith.constant 0 : i32
    "tpu.region"() ({
      %run_scoped3A_484 = tpu.sem_alloc : memref<!tpu.dma_semaphore, #tpu.memory_space<semaphore_mem>>
      %dma_start3A_485 = tpu.memref_slice %arg2[%select_n3A, %run_scoped3A, %select_n3A_32] : memref<2x1x4096xi32, #tpu.memory_space<hbm>> -> memref<1x1x256xi32, #tpu.memory_space<hbm>>
      %dma_start3A_486 = tpu.memref_squeeze %dma_start3A_485 : memref<1x1x256xi32, #tpu.memory_space<hbm>> -> memref<256xi32, #tpu.memory_space<hbm>>
      %dma_start3A_487 = tpu.memref_slice %arg2[%select_n3A, %run_scoped3A, %select_n3A_32] : memref<2x1x4096xi32, #tpu.memory_space<hbm>> -> memref<1x1x256xi32, #tpu.memory_space<hbm>>
      %dma_start3A_488 = tpu.memref_squeeze %dma_start3A_487 : memref<1x1x256xi32, #tpu.memory_space<hbm>> -> memref<256xi32, #tpu.memory_space<hbm>>
      tpu.enqueue_dma source(%dma_start3A_488 : memref<256xi32, #tpu.memory_space<hbm>>) target(%arg5 : memref<256xi32, #tpu.memory_space<vmem>>) target_semaphore(%run_scoped3A_484 : memref<!tpu.dma_semaphore, #tpu.memory_space<semaphore_mem>>)
      %dma_wait3A_489 = tpu.memref_slice %arg2[%select_n3A, %run_scoped3A, %select_n3A_32] : memref<2x1x4096xi32, #tpu.memory_space<hbm>> -> memref<1x1x256xi32, #tpu.memory_space<hbm>>
      %dma_wait3A_490 = tpu.memref_squeeze %dma_wait3A_489 : memref<1x1x256xi32, #tpu.memory_space<hbm>> -> memref<256xi32, #tpu.memory_space<hbm>>
      %dma_wait3A_491 = tpu.memref_slice %arg2[%select_n3A, %run_scoped3A, %select_n3A_32] : memref<2x1x4096xi32, #tpu.memory_space<hbm>> -> memref<1x1x256xi32, #tpu.memory_space<hbm>>
      %dma_wait3A_492 = tpu.memref_squeeze %dma_wait3A_491 : memref<1x1x256xi32, #tpu.memory_space<hbm>> -> memref<256xi32, #tpu.memory_space<hbm>>
      tpu.wait_dma2 semaphore(%run_scoped3A_484 : memref<!tpu.dma_semaphore, #tpu.memory_space<semaphore_mem>>) src(%dma_wait3A_492 : memref<256xi32, #tpu.memory_space<hbm>>) dst(%arg5 : memref<256xi32, #tpu.memory_space<vmem>>)
      tpu.yield
    }) : () -> ()
    %get3A = arith.constant 0 : index
    %get3A_33 = tpu.vector_load %arg5[%get3A] {strides = array<i32>} : memref<256xi32, #tpu.memory_space<vmem>>, vector<16xi32>,
    %get3A_34 = vector.shape_cast %get3A_33 : vector<16xi32> to vector<16xi32>
    %shift_right_logical3A = arith.constant 5 : i32
    %shift_right_logical3A_35 = vector.broadcast %shift_right_logical3A : i32 to vector<16xi32>
    %shift_right_logical3A_36 = arith.shrui %get3A_34, %shift_right_logical3A_35 : vector<16xi32>
    %swap3A = arith.constant 0 : index
    %swap3A_37 = tpu.vector_load %arg6[%swap3A] {strides = array<i32>} : memref<256xi32, #tpu.memory_space<vmem>>, vector<16xi32>,
    %swap3A_38 = vector.shape_cast %swap3A_37 : vector<16xi32> to vector<16xi32>
    %swap3A_39 = vector.shape_cast %shift_right_logical3A_36 : vector<16xi32> to vector<16xi32>
    tpu.vector_store %arg6[%swap3A], %swap3A_39 {strides = array<i32>} : memref<256xi32, #tpu.memory_space<vmem>>, vector<16xi32>,
    %get3A_40 = arith.constant 16 : index
    %get3A_41 = tpu.vector_load %arg5[%get3A_40] {strides = array<i32>} : memref<256xi32, #tpu.memory_space<vmem>>, vector<16xi32>,
    %get3A_42 = vector.shape_cast %get3A_41 : vector<16xi32> to vector<16xi32>
    %shift_right_logical3A_43 = arith.constant 5 : i32
    %shift_right_logical3A_44 = vector.broadcast %shift_right_logical3A_43 : i32 to vector<16xi32>
    %shift_right_logical3A_45 = arith.shrui %get3A_42, %shift_right_logical3A_44 : vector<16xi32>
    %swap3A_46 = arith.constant 16 : index
    %swap3A_47 = tpu.vector_load %arg6[%swap3A_46] {strides = array<i32>} : memref<256xi32, #tpu.memory_space<vmem>>, vector<16xi32>,
    %swap3A_48 = vector.shape_cast %swap3A_47 : vector<16xi32> to vector<16xi32>
    %swap3A_49 = vector.shape_cast %shift_right_logical3A_45 : vector<16xi32> to vector<16xi32>
    tpu.vector_store %arg6[%swap3A_46], %swap3A_49 {strides = array<i32>} : memref<256xi32, #tpu.memory_space<vmem>>, vector<16xi32>,
    %get3A_50 = arith.constant 32 : index
    %get3A_51 = tpu.vector_load %arg5[%get3A_50] {strides = array<i32>} : memref<256xi32, #tpu.memory_space<vmem>>, vector<16xi32>,
    %get3A_52 = vector.shape_cast %get3A_51 : vector<16xi32> to vector<16xi32>
    %shift_right_logical3A_53 = arith.constant 5 : i32
    %shift_right_logical3A_54 = vector.broadcast %shift_right_logical3A_53 : i32 to vector<16xi32>
    %shift_right_logical3A_55 = arith.shrui %get3A_52, %shift_right_logical3A_54 : vector<16xi32>
    %swap3A_56 = arith.constant 32 : index
    %swap3A_57 = tpu.vector_load %arg6[%swap3A_56] {strides = array<i32>} : memref<256xi32, #tpu.memory_space<vmem>>, vector<16xi32>,
    %swap3A_58 = vector.shape_cast %swap3A_57 : vector<16xi32> to vector<16xi32>
    %swap3A_59 = vector.shape_cast %shift_right_logical3A_55 : vector<16xi32> to vector<16xi32>
    tpu.vector_store %arg6[%swap3A_56], %swap3A_59 {strides = array<i32>} : memref<256xi32, #tpu.memory_space<vmem>>, vector<16xi32>,
    %get3A_60 = arith.constant 48 : index
    %get3A_61 = tpu.vector_load %arg5[%get3A_60] {strides = array<i32>} : memref<256xi32, #tpu.memory_space<vmem>>, vector<16xi32>,
    %get3A_62 = vector.shape_cast %get3A_61 : vector<16xi32> to vector<16xi32>
    %shift_right_logical3A_63 = arith.constant 5 : i32
    %shift_right_logical3A_64 = vector.broadcast %shift_right_logical3A_63 : i32 to vector<16xi32>
    %shift_right_logical3A_65 = arith.shrui %get3A_62, %shift_right_logical3A_64 : vector<16xi32>
    %swap3A_66 = arith.constant 48 : index
    %swap3A_67 = tpu.vector_load %arg6[%swap3A_66] {strides = array<i32>} : memref<256xi32, #tpu.memory_space<vmem>>, vector<16xi32>,
    %swap3A_68 = vector.shape_cast %swap3A_67 : vector<16xi32> to vector<16xi32>
    %swap3A_69 = vector.shape_cast %shift_right_logical3A_65 : vector<16xi32> to vector<16xi32>
    tpu.vector_store %arg6[%swap3A_66], %swap3A_69 {strides = array<i32>} : memref<256xi32, #tpu.memory_space<vmem>>, vector<16xi32>,
    %get3A_70 = arith.constant 64 : index
    %get3A_71 = tpu.vector_load %arg5[%get3A_70] {strides = array<i32>} : memref<256xi32, #tpu.memory_space<vmem>>, vector<16xi32>,
    %get3A_72 = vector.shape_cast %get3A_71 : vector<16xi32> to vector<16xi32>
    %shift_right_logical3A_73 = arith.constant 5 : i32
    %shift_right_logical3A_74 = vector.broadcast %shift_right_logical3A_73 : i32 to vector<16xi32>
    %shift_right_logical3A_75 = arith.shrui %get3A_72, %shift_right_logical3A_74 : vector<16xi32>
    %swap3A_76 = arith.constant 64 : index
    %swap3A_77 = tpu.vector_load %arg6[%swap3A_76] {strides = array<i32>} : memref<256xi32, #tpu.memory_space<vmem>>, vector<16xi32>,
    %swap3A_78 = vector.shape_cast %swap3A_77 : vector<16xi32> to vector<16xi32>
    %swap3A_79 = vector.shape_cast %shift_right_logical3A_75 : vector<16xi32> to vector<16xi32>
    tpu.vector_store %arg6[%swap3A_76], %swap3A_79 {strides = array<i32>} : memref<256xi32, #tpu.memory_space<vmem>>, vector<16xi32>,
    %get3A_80 = arith.constant 80 : index
    %get3A_81 = tpu.vector_load %arg5[%get3A_80] {strides = array<i32>} : memref<256xi32, #tpu.memory_space<vmem>>, vector<16xi32>,
    %get3A_82 = vector.shape_cast %get3A_81 : vector<16xi32> to vector<16xi32>
    %shift_right_logical3A_83 = arith.constant 5 : i32
    %shift_right_logical3A_84 = vector.broadcast %shift_right_logical3A_83 : i32 to vector<16xi32>
    %shift_right_logical3A_85 = arith.shrui %get3A_82, %shift_right_logical3A_84 : vector<16xi32>
    %swap3A_86 = arith.constant 80 : index
    %swap3A_87 = tpu.vector_load %arg6[%swap3A_86] {strides = array<i32>} : memref<256xi32, #tpu.memory_space<vmem>>, vector<16xi32>,
    %swap3A_88 = vector.shape_cast %swap3A_87 : vector<16xi32> to vector<16xi32>
    %swap3A_89 = vector.shape_cast %shift_right_logical3A_85 : vector<16xi32> to vector<16xi32>
    tpu.vector_store %arg6[%swap3A_86], %swap3A_89 {strides = array<i32>} : memref<256xi32, #tpu.memory_space<vmem>>, vector<16xi32>,
    %get3A_90 = arith.constant 96 : index
    %get3A_91 = tpu.vector_load %arg5[%get3A_90] {strides = array<i32>} : memref<256xi32, #tpu.memory_space<vmem>>, vector<16xi32>,
    %get3A_92 = vector.shape_cast %get3A_91 : vector<16xi32> to vector<16xi32>
    %shift_right_logical3A_93 = arith.constant 5 : i32
    %shift_right_logical3A_94 = vector.broadcast %shift_right_logical3A_93 : i32 to vector<16xi32>
    %shift_right_logical3A_95 = arith.shrui %get3A_92, %shift_right_logical3A_94 : vector<16xi32>
    %swap3A_96 = arith.constant 96 : index
    %swap3A_97 = tpu.vector_load %arg6[%swap3A_96] {strides = array<i32>} : memref<256xi32, #tpu.memory_space<vmem>>, vector<16xi32>,
    %swap3A_98 = vector.shape_cast %swap3A_97 : vector<16xi32> to vector<16xi32>
    %swap3A_99 = vector.shape_cast %shift_right_logical3A_95 : vector<16xi32> to vector<16xi32>
    tpu.vector_store %arg6[%swap3A_96], %swap3A_99 {strides = array<i32>} : memref<256xi32, #tpu.memory_space<vmem>>, vector<16xi32>,
    %get3A_100 = arith.constant 112 : index
    %get3A_101 = tpu.vector_load %arg5[%get3A_100] {strides = array<i32>} : memref<256xi32, #tpu.memory_space<vmem>>, vector<16xi32>,
    %get3A_102 = vector.shape_cast %get3A_101 : vector<16xi32> to vector<16xi32>
    %shift_right_logical3A_103 = arith.constant 5 : i32
    %shift_right_logical3A_104 = vector.broadcast %shift_right_logical3A_103 : i32 to vector<16xi32>
    %shift_right_logical3A_105 = arith.shrui %get3A_102, %shift_right_logical3A_104 : vector<16xi32>
    %swap3A_106 = arith.constant 112 : index
    %swap3A_107 = tpu.vector_load %arg6[%swap3A_106] {strides = array<i32>} : memref<256xi32, #tpu.memory_space<vmem>>, vector<16xi32>,
    %swap3A_108 = vector.shape_cast %swap3A_107 : vector<16xi32> to vector<16xi32>
    %swap3A_109 = vector.shape_cast %shift_right_logical3A_105 : vector<16xi32> to vector<16xi32>
    tpu.vector_store %arg6[%swap3A_106], %swap3A_109 {strides = array<i32>} : memref<256xi32, #tpu.memory_space<vmem>>, vector<16xi32>,
    %dma_start3A = arith.constant 0 : i32
    %dma_start3A_110 = tpu.memref_slice %arg7[%dma_start3A] : memref<256xi32, #tpu.memory_space<vmem>> -> memref<128xi32, #tpu.memory_space<vmem>>
    %dma_start3A_111 = arith.constant 0 : i32
    %dma_start3A_112 = tpu.memref_slice %arg6[%dma_start3A_111] : memref<256xi32, #tpu.memory_space<vmem>> -> memref<128xi32, #tpu.memory_space<vmem>>
    %dma_start3A_113 = arith.constant 0 : i32
    %dma_start3A_114 = tpu.memref_slice %arg3[%dma_start3A_113] : memref<524288xi32, #tpu.memory_space<hbm>> -> memref<524288xi32, #tpu.memory_space<hbm>>
    tpu.enqueue_indirect_dma source(%dma_start3A_114 : memref<524288xi32, #tpu.memory_space<hbm>>) target(%dma_start3A_110 : memref<128xi32, #tpu.memory_space<vmem>>) offsets(%dma_start3A_112 : memref<128xi32, #tpu.memory_space<vmem>>) semaphore(%arg9 : memref<!tpu.dma_semaphore, #tpu.memory_space<semaphore_mem>>)
    %get3A_115 = arith.constant 128 : index
    %get3A_116 = tpu.vector_load %arg5[%get3A_115] {strides = array<i32>} : memref<256xi32, #tpu.memory_space<vmem>>, vector<16xi32>,
    %get3A_117 = vector.shape_cast %get3A_116 : vector<16xi32> to vector<16xi32>
    %shift_right_logical3A_118 = arith.constant 5 : i32
    %shift_right_logical3A_119 = vector.broadcast %shift_right_logical3A_118 : i32 to vector<16xi32>
    %shift_right_logical3A_120 = arith.shrui %get3A_117, %shift_right_logical3A_119 : vector<16xi32>
    %swap3A_121 = arith.constant 128 : index
    %swap3A_122 = tpu.vector_load %arg6[%swap3A_121] {strides = array<i32>} : memref<256xi32, #tpu.memory_space<vmem>>, vector<16xi32>,
    %swap3A_123 = vector.shape_cast %swap3A_122 : vector<16xi32> to vector<16xi32>
    %swap3A_124 = vector.shape_cast %shift_right_logical3A_120 : vector<16xi32> to vector<16xi32>
    tpu.vector_store %arg6[%swap3A_121], %swap3A_124 {strides = array<i32>} : memref<256xi32, #tpu.memory_space<vmem>>, vector<16xi32>,
    %get3A_125 = arith.constant 144 : index
    %get3A_126 = tpu.vector_load %arg5[%get3A_125] {strides = array<i32>} : memref<256xi32, #tpu.memory_space<vmem>>, vector<16xi32>,
    %get3A_127 = vector.shape_cast %get3A_126 : vector<16xi32> to vector<16xi32>
    %shift_right_logical3A_128 = arith.constant 5 : i32
    %shift_right_logical3A_129 = vector.broadcast %shift_right_logical3A_128 : i32 to vector<16xi32>
    %shift_right_logical3A_130 = arith.shrui %get3A_127, %shift_right_logical3A_129 : vector<16xi32>
    %swap3A_131 = arith.constant 144 : index
    %swap3A_132 = tpu.vector_load %arg6[%swap3A_131] {strides = array<i32>} : memref<256xi32, #tpu.memory_space<vmem>>, vector<16xi32>,
    %swap3A_133 = vector.shape_cast %swap3A_132 : vector<16xi32> to vector<16xi32>
    %swap3A_134 = vector.shape_cast %shift_right_logical3A_130 : vector<16xi32> to vector<16xi32>
    tpu.vector_store %arg6[%swap3A_131], %swap3A_134 {strides = array<i32>} : memref<256xi32, #tpu.memory_space<vmem>>, vector<16xi32>,
    %get3A_135 = arith.constant 160 : index
    %get3A_136 = tpu.vector_load %arg5[%get3A_135] {strides = array<i32>} : memref<256xi32, #tpu.memory_space<vmem>>, vector<16xi32>,
    %get3A_137 = vector.shape_cast %get3A_136 : vector<16xi32> to vector<16xi32>
    %shift_right_logical3A_138 = arith.constant 5 : i32
    %shift_right_logical3A_139 = vector.broadcast %shift_right_logical3A_138 : i32 to vector<16xi32>
    %shift_right_logical3A_140 = arith.shrui %get3A_137, %shift_right_logical3A_139 : vector<16xi32>
    %swap3A_141 = arith.constant 160 : index
    %swap3A_142 = tpu.vector_load %arg6[%swap3A_141] {strides = array<i32>} : memref<256xi32, #tpu.memory_space<vmem>>, vector<16xi32>,
    %swap3A_143 = vector.shape_cast %swap3A_142 : vector<16xi32> to vector<16xi32>
    %swap3A_144 = vector.shape_cast %shift_right_logical3A_140 : vector<16xi32> to vector<16xi32>
    tpu.vector_store %arg6[%swap3A_141], %swap3A_144 {strides = array<i32>} : memref<256xi32, #tpu.memory_space<vmem>>, vector<16xi32>,
    %get3A_145 = arith.constant 176 : index
    %get3A_146 = tpu.vector_load %arg5[%get3A_145] {strides = array<i32>} : memref<256xi32, #tpu.memory_space<vmem>>, vector<16xi32>,
    %get3A_147 = vector.shape_cast %get3A_146 : vector<16xi32> to vector<16xi32>
    %shift_right_logical3A_148 = arith.constant 5 : i32
    %shift_right_logical3A_149 = vector.broadcast %shift_right_logical3A_148 : i32 to vector<16xi32>
    %shift_right_logical3A_150 = arith.shrui %get3A_147, %shift_right_logical3A_149 : vector<16xi32>
    %swap3A_151 = arith.constant 176 : index
    %swap3A_152 = tpu.vector_load %arg6[%swap3A_151] {strides = array<i32>} : memref<256xi32, #tpu.memory_space<vmem>>, vector<16xi32>,
    %swap3A_153 = vector.shape_cast %swap3A_152 : vector<16xi32> to vector<16xi32>
    %swap3A_154 = vector.shape_cast %shift_right_logical3A_150 : vector<16xi32> to vector<16xi32>
    tpu.vector_store %arg6[%swap3A_151], %swap3A_154 {strides = array<i32>} : memref<256xi32, #tpu.memory_space<vmem>>, vector<16xi32>,
    %get3A_155 = arith.constant 192 : index
    %get3A_156 = tpu.vector_load %arg5[%get3A_155] {strides = array<i32>} : memref<256xi32, #tpu.memory_space<vmem>>, vector<16xi32>,
    %get3A_157 = vector.shape_cast %get3A_156 : vector<16xi32> to vector<16xi32>
    %shift_right_logical3A_158 = arith.constant 5 : i32
    %shift_right_logical3A_159 = vector.broadcast %shift_right_logical3A_158 : i32 to vector<16xi32>
    %shift_right_logical3A_160 = arith.shrui %get3A_157, %shift_right_logical3A_159 : vector<16xi32>
    %swap3A_161 = arith.constant 192 : index
    %swap3A_162 = tpu.vector_load %arg6[%swap3A_161] {strides = array<i32>} : memref<256xi32, #tpu.memory_space<vmem>>, vector<16xi32>,
    %swap3A_163 = vector.shape_cast %swap3A_162 : vector<16xi32> to vector<16xi32>
    %swap3A_164 = vector.shape_cast %shift_right_logical3A_160 : vector<16xi32> to vector<16xi32>
    tpu.vector_store %arg6[%swap3A_161], %swap3A_164 {strides = array<i32>} : memref<256xi32, #tpu.memory_space<vmem>>, vector<16xi32>,
    %get3A_165 = arith.constant 208 : index
    %get3A_166 = tpu.vector_load %arg5[%get3A_165] {strides = array<i32>} : memref<256xi32, #tpu.memory_space<vmem>>, vector<16xi32>,
    %get3A_167 = vector.shape_cast %get3A_166 : vector<16xi32> to vector<16xi32>
    %shift_right_logical3A_168 = arith.constant 5 : i32
    %shift_right_logical3A_169 = vector.broadcast %shift_right_logical3A_168 : i32 to vector<16xi32>
    %shift_right_logical3A_170 = arith.shrui %get3A_167, %shift_right_logical3A_169 : vector<16xi32>
    %swap3A_171 = arith.constant 208 : index
    %swap3A_172 = tpu.vector_load %arg6[%swap3A_171] {strides = array<i32>} : memref<256xi32, #tpu.memory_space<vmem>>, vector<16xi32>,
    %swap3A_173 = vector.shape_cast %swap3A_172 : vector<16xi32> to vector<16xi32>
    %swap3A_174 = vector.shape_cast %shift_right_logical3A_170 : vector<16xi32> to vector<16xi32>
    tpu.vector_store %arg6[%swap3A_171], %swap3A_174 {strides = array<i32>} : memref<256xi32, #tpu.memory_space<vmem>>, vector<16xi32>,
    %get3A_175 = arith.constant 224 : index
    %get3A_176 = tpu.vector_load %arg5[%get3A_175] {strides = array<i32>} : memref<256xi32, #tpu.memory_space<vmem>>, vector<16xi32>,
    %get3A_177 = vector.shape_cast %get3A_176 : vector<16xi32> to vector<16xi32>
    %shift_right_logical3A_178 = arith.constant 5 : i32
    %shift_right_logical3A_179 = vector.broadcast %shift_right_logical3A_178 : i32 to vector<16xi32>
    %shift_right_logical3A_180 = arith.shrui %get3A_177, %shift_right_logical3A_179 : vector<16xi32>
    %swap3A_181 = arith.constant 224 : index
    %swap3A_182 = tpu.vector_load %arg6[%swap3A_181] {strides = array<i32>} : memref<256xi32, #tpu.memory_space<vmem>>, vector<16xi32>,
    %swap3A_183 = vector.shape_cast %swap3A_182 : vector<16xi32> to vector<16xi32>
    %swap3A_184 = vector.shape_cast %shift_right_logical3A_180 : vector<16xi32> to vector<16xi32>
    tpu.vector_store %arg6[%swap3A_181], %swap3A_184 {strides = array<i32>} : memref<256xi32, #tpu.memory_space<vmem>>, vector<16xi32>,
    %get3A_185 = arith.constant 240 : index
    %get3A_186 = tpu.vector_load %arg5[%get3A_185] {strides = array<i32>} : memref<256xi32, #tpu.memory_space<vmem>>, vector<16xi32>,
    %get3A_187 = vector.shape_cast %get3A_186 : vector<16xi32> to vector<16xi32>
    %shift_right_logical3A_188 = arith.constant 5 : i32
    %shift_right_logical3A_189 = vector.broadcast %shift_right_logical3A_188 : i32 to vector<16xi32>
    %shift_right_logical3A_190 = arith.shrui %get3A_187, %shift_right_logical3A_189 : vector<16xi32>
    %swap3A_191 = arith.constant 240 : index
    %swap3A_192 = tpu.vector_load %arg6[%swap3A_191] {strides = array<i32>} : memref<256xi32, #tpu.memory_space<vmem>>, vector<16xi32>,
    %swap3A_193 = vector.shape_cast %swap3A_192 : vector<16xi32> to vector<16xi32>
    %swap3A_194 = vector.shape_cast %shift_right_logical3A_190 : vector<16xi32> to vector<16xi32>
    tpu.vector_store %arg6[%swap3A_191], %swap3A_194 {strides = array<i32>} : memref<256xi32, #tpu.memory_space<vmem>>, vector<16xi32>,
    %dma_start3A_195 = arith.constant 128 : i32
    %dma_start3A_196 = tpu.memref_slice %arg7[%dma_start3A_195] : memref<256xi32, #tpu.memory_space<vmem>> -> memref<128xi32, #tpu.memory_space<vmem>>
    %dma_start3A_197 = arith.constant 128 : i32
    %dma_start3A_198 = tpu.memref_slice %arg6[%dma_start3A_197] : memref<256xi32, #tpu.memory_space<vmem>> -> memref<128xi32, #tpu.memory_space<vmem>>
    %dma_start3A_199 = arith.constant 0 : i32
    %dma_start3A_200 = tpu.memref_slice %arg3[%dma_start3A_199] : memref<524288xi32, #tpu.memory_space<hbm>> -> memref<524288xi32, #tpu.memory_space<hbm>>
    tpu.enqueue_indirect_dma source(%dma_start3A_200 : memref<524288xi32, #tpu.memory_space<hbm>>) target(%dma_start3A_196 : memref<128xi32, #tpu.memory_space<vmem>>) offsets(%dma_start3A_198 : memref<128xi32, #tpu.memory_space<vmem>>) semaphore(%arg9 : memref<!tpu.dma_semaphore, #tpu.memory_space<semaphore_mem>>)
    %dma_wait3A = arith.constant 0 : i32
    %dma_wait3A_201 = tpu.memref_slice %arg7[%dma_wait3A] : memref<256xi32, #tpu.memory_space<vmem>> -> memref<128xi32, #tpu.memory_space<vmem>>
    %dma_wait3A_202 = arith.constant 0 : i32
    %dma_wait3A_203 = tpu.memref_slice %arg6[%dma_wait3A_202] : memref<256xi32, #tpu.memory_space<vmem>> -> memref<128xi32, #tpu.memory_space<vmem>>
    %dma_wait3A_204 = arith.constant 0 : i32
    %dma_wait3A_205 = tpu.memref_slice %arg3[%dma_wait3A_204] : memref<524288xi32, #tpu.memory_space<hbm>> -> memref<524288xi32, #tpu.memory_space<hbm>>
    tpu.wait_indirect_dma semaphore(%arg9 : memref<!tpu.dma_semaphore, #tpu.memory_space<semaphore_mem>>) src(%dma_wait3A_205 : memref<524288xi32, #tpu.memory_space<hbm>>) dst(%dma_wait3A_201 : memref<128xi32, #tpu.memory_space<vmem>>)
    %dma_wait3A_206 = arith.constant 128 : i32
    %dma_wait3A_207 = tpu.memref_slice %arg7[%dma_wait3A_206] : memref<256xi32, #tpu.memory_space<vmem>> -> memref<128xi32, #tpu.memory_space<vmem>>
    %dma_wait3A_208 = arith.constant 128 : i32
    %dma_wait3A_209 = tpu.memref_slice %arg6[%dma_wait3A_208] : memref<256xi32, #tpu.memory_space<vmem>> -> memref<128xi32, #tpu.memory_space<vmem>>
    %dma_wait3A_210 = arith.constant 0 : i32
    %dma_wait3A_211 = tpu.memref_slice %arg3[%dma_wait3A_210] : memref<524288xi32, #tpu.memory_space<hbm>> -> memref<524288xi32, #tpu.memory_space<hbm>>
    tpu.wait_indirect_dma semaphore(%arg9 : memref<!tpu.dma_semaphore, #tpu.memory_space<semaphore_mem>>) src(%dma_wait3A_211 : memref<524288xi32, #tpu.memory_space<hbm>>) dst(%dma_wait3A_207 : memref<128xi32, #tpu.memory_space<vmem>>)
    %get3A_212 = arith.constant 0 : index
    %get3A_213 = tpu.vector_load %arg7[%get3A_212] {strides = array<i32>} : memref<256xi32, #tpu.memory_space<vmem>>, vector<16xi32>,
    %get3A_214 = vector.shape_cast %get3A_213 : vector<16xi32> to vector<16xi32>
    %get3A_215 = arith.constant 0 : index
    %get3A_216 = tpu.vector_load %arg5[%get3A_215] {strides = array<i32>} : memref<256xi32, #tpu.memory_space<vmem>>, vector<16xi32>,
    %get3A_217 = vector.shape_cast %get3A_216 : vector<16xi32> to vector<16xi32>
    %and3A_218 = arith.constant 31 : i32
    %and3A_219 = vector.broadcast %and3A_218 : i32 to vector<16xi32>
    %and3A_220 = arith.andi %get3A_217, %and3A_219 : vector<16xi32>
    %shift_right_logical3A_221 = arith.shrui %get3A_214, %and3A_220 : vector<16xi32>
    %and3A_222 = arith.constant 1 : i32
    %and3A_223 = vector.broadcast %and3A_222 : i32 to vector<16xi32>
    %and3A_224 = arith.andi %shift_right_logical3A_221, %and3A_223 : vector<16xi32>
    %swap3A_225 = arith.constant 0 : index
    %swap3A_226 = tpu.vector_load %arg8[%swap3A_225] {strides = array<i32>} : memref<256xi32, #tpu.memory_space<vmem>>, vector<16xi32>,
    %swap3A_227 = vector.shape_cast %swap3A_226 : vector<16xi32> to vector<16xi32>
    %swap3A_228 = vector.shape_cast %and3A_224 : vector<16xi32> to vector<16xi32>
    tpu.vector_store %arg8[%swap3A_225], %swap3A_228 {strides = array<i32>} : memref<256xi32, #tpu.memory_space<vmem>>, vector<16xi32>,
    %get3A_229 = arith.constant 16 : index
    %get3A_230 = tpu.vector_load %arg7[%get3A_229] {strides = array<i32>} : memref<256xi32, #tpu.memory_space<vmem>>, vector<16xi32>,
    %get3A_231 = vector.shape_cast %get3A_230 : vector<16xi32> to vector<16xi32>
    %get3A_232 = arith.constant 16 : index
    %get3A_233 = tpu.vector_load %arg5[%get3A_232] {strides = array<i32>} : memref<256xi32, #tpu.memory_space<vmem>>, vector<16xi32>,
    %get3A_234 = vector.shape_cast %get3A_233 : vector<16xi32> to vector<16xi32>
    %and3A_235 = arith.constant 31 : i32
    %and3A_236 = vector.broadcast %and3A_235 : i32 to vector<16xi32>
    %and3A_237 = arith.andi %get3A_234, %and3A_236 : vector<16xi32>
    %shift_right_logical3A_238 = arith.shrui %get3A_231, %and3A_237 : vector<16xi32>
    %and3A_239 = arith.constant 1 : i32
    %and3A_240 = vector.broadcast %and3A_239 : i32 to vector<16xi32>
    %and3A_241 = arith.andi %shift_right_logical3A_238, %and3A_240 : vector<16xi32>
    %swap3A_242 = arith.constant 16 : index
    %swap3A_243 = tpu.vector_load %arg8[%swap3A_242] {strides = array<i32>} : memref<256xi32, #tpu.memory_space<vmem>>, vector<16xi32>,
    %swap3A_244 = vector.shape_cast %swap3A_243 : vector<16xi32> to vector<16xi32>
    %swap3A_245 = vector.shape_cast %and3A_241 : vector<16xi32> to vector<16xi32>
    tpu.vector_store %arg8[%swap3A_242], %swap3A_245 {strides = array<i32>} : memref<256xi32, #tpu.memory_space<vmem>>, vector<16xi32>,
    %get3A_246 = arith.constant 32 : index
    %get3A_247 = tpu.vector_load %arg7[%get3A_246] {strides = array<i32>} : memref<256xi32, #tpu.memory_space<vmem>>, vector<16xi32>,
    %get3A_248 = vector.shape_cast %get3A_247 : vector<16xi32> to vector<16xi32>
    %get3A_249 = arith.constant 32 : index
    %get3A_250 = tpu.vector_load %arg5[%get3A_249] {strides = array<i32>} : memref<256xi32, #tpu.memory_space<vmem>>, vector<16xi32>,
    %get3A_251 = vector.shape_cast %get3A_250 : vector<16xi32> to vector<16xi32>
    %and3A_252 = arith.constant 31 : i32
    %and3A_253 = vector.broadcast %and3A_252 : i32 to vector<16xi32>
    %and3A_254 = arith.andi %get3A_251, %and3A_253 : vector<16xi32>
    %shift_right_logical3A_255 = arith.shrui %get3A_248, %and3A_254 : vector<16xi32>
    %and3A_256 = arith.constant 1 : i32
    %and3A_257 = vector.broadcast %and3A_256 : i32 to vector<16xi32>
    %and3A_258 = arith.andi %shift_right_logical3A_255, %and3A_257 : vector<16xi32>
    %swap3A_259 = arith.constant 32 : index
    %swap3A_260 = tpu.vector_load %arg8[%swap3A_259] {strides = array<i32>} : memref<256xi32, #tpu.memory_space<vmem>>, vector<16xi32>,
    %swap3A_261 = vector.shape_cast %swap3A_260 : vector<16xi32> to vector<16xi32>
    %swap3A_262 = vector.shape_cast %and3A_258 : vector<16xi32> to vector<16xi32>
    tpu.vector_store %arg8[%swap3A_259], %swap3A_262 {strides = array<i32>} : memref<256xi32, #tpu.memory_space<vmem>>, vector<16xi32>,
    %get3A_263 = arith.constant 48 : index
    %get3A_264 = tpu.vector_load %arg7[%get3A_263] {strides = array<i32>} : memref<256xi32, #tpu.memory_space<vmem>>, vector<16xi32>,
    %get3A_265 = vector.shape_cast %get3A_264 : vector<16xi32> to vector<16xi32>
    %get3A_266 = arith.constant 48 : index
    %get3A_267 = tpu.vector_load %arg5[%get3A_266] {strides = array<i32>} : memref<256xi32, #tpu.memory_space<vmem>>, vector<16xi32>,
    %get3A_268 = vector.shape_cast %get3A_267 : vector<16xi32> to vector<16xi32>
    %and3A_269 = arith.constant 31 : i32
    %and3A_270 = vector.broadcast %and3A_269 : i32 to vector<16xi32>
    %and3A_271 = arith.andi %get3A_268, %and3A_270 : vector<16xi32>
    %shift_right_logical3A_272 = arith.shrui %get3A_265, %and3A_271 : vector<16xi32>
    %and3A_273 = arith.constant 1 : i32
    %and3A_274 = vector.broadcast %and3A_273 : i32 to vector<16xi32>
    %and3A_275 = arith.andi %shift_right_logical3A_272, %and3A_274 : vector<16xi32>
    %swap3A_276 = arith.constant 48 : index
    %swap3A_277 = tpu.vector_load %arg8[%swap3A_276] {strides = array<i32>} : memref<256xi32, #tpu.memory_space<vmem>>, vector<16xi32>,
    %swap3A_278 = vector.shape_cast %swap3A_277 : vector<16xi32> to vector<16xi32>
    %swap3A_279 = vector.shape_cast %and3A_275 : vector<16xi32> to vector<16xi32>
    tpu.vector_store %arg8[%swap3A_276], %swap3A_279 {strides = array<i32>} : memref<256xi32, #tpu.memory_space<vmem>>, vector<16xi32>,
    %get3A_280 = arith.constant 64 : index
    %get3A_281 = tpu.vector_load %arg7[%get3A_280] {strides = array<i32>} : memref<256xi32, #tpu.memory_space<vmem>>, vector<16xi32>,
    %get3A_282 = vector.shape_cast %get3A_281 : vector<16xi32> to vector<16xi32>
    %get3A_283 = arith.constant 64 : index
    %get3A_284 = tpu.vector_load %arg5[%get3A_283] {strides = array<i32>} : memref<256xi32, #tpu.memory_space<vmem>>, vector<16xi32>,
    %get3A_285 = vector.shape_cast %get3A_284 : vector<16xi32> to vector<16xi32>
    %and3A_286 = arith.constant 31 : i32
    %and3A_287 = vector.broadcast %and3A_286 : i32 to vector<16xi32>
    %and3A_288 = arith.andi %get3A_285, %and3A_287 : vector<16xi32>
    %shift_right_logical3A_289 = arith.shrui %get3A_282, %and3A_288 : vector<16xi32>
    %and3A_290 = arith.constant 1 : i32
    %and3A_291 = vector.broadcast %and3A_290 : i32 to vector<16xi32>
    %and3A_292 = arith.andi %shift_right_logical3A_289, %and3A_291 : vector<16xi32>
    %swap3A_293 = arith.constant 64 : index
    %swap3A_294 = tpu.vector_load %arg8[%swap3A_293] {strides = array<i32>} : memref<256xi32, #tpu.memory_space<vmem>>, vector<16xi32>,
    %swap3A_295 = vector.shape_cast %swap3A_294 : vector<16xi32> to vector<16xi32>
    %swap3A_296 = vector.shape_cast %and3A_292 : vector<16xi32> to vector<16xi32>
    tpu.vector_store %arg8[%swap3A_293], %swap3A_296 {strides = array<i32>} : memref<256xi32, #tpu.memory_space<vmem>>, vector<16xi32>,
    %get3A_297 = arith.constant 80 : index
    %get3A_298 = tpu.vector_load %arg7[%get3A_297] {strides = array<i32>} : memref<256xi32, #tpu.memory_space<vmem>>, vector<16xi32>,
    %get3A_299 = vector.shape_cast %get3A_298 : vector<16xi32> to vector<16xi32>
    %get3A_300 = arith.constant 80 : index
    %get3A_301 = tpu.vector_load %arg5[%get3A_300] {strides = array<i32>} : memref<256xi32, #tpu.memory_space<vmem>>, vector<16xi32>,
    %get3A_302 = vector.shape_cast %get3A_301 : vector<16xi32> to vector<16xi32>
    %and3A_303 = arith.constant 31 : i32
    %and3A_304 = vector.broadcast %and3A_303 : i32 to vector<16xi32>
    %and3A_305 = arith.andi %get3A_302, %and3A_304 : vector<16xi32>
    %shift_right_logical3A_306 = arith.shrui %get3A_299, %and3A_305 : vector<16xi32>
    %and3A_307 = arith.constant 1 : i32
    %and3A_308 = vector.broadcast %and3A_307 : i32 to vector<16xi32>
    %and3A_309 = arith.andi %shift_right_logical3A_306, %and3A_308 : vector<16xi32>
    %swap3A_310 = arith.constant 80 : index
    %swap3A_311 = tpu.vector_load %arg8[%swap3A_310] {strides = array<i32>} : memref<256xi32, #tpu.memory_space<vmem>>, vector<16xi32>,
    %swap3A_312 = vector.shape_cast %swap3A_311 : vector<16xi32> to vector<16xi32>
    %swap3A_313 = vector.shape_cast %and3A_309 : vector<16xi32> to vector<16xi32>
    tpu.vector_store %arg8[%swap3A_310], %swap3A_313 {strides = array<i32>} : memref<256xi32, #tpu.memory_space<vmem>>, vector<16xi32>,
    %get3A_314 = arith.constant 96 : index
    %get3A_315 = tpu.vector_load %arg7[%get3A_314] {strides = array<i32>} : memref<256xi32, #tpu.memory_space<vmem>>, vector<16xi32>,
    %get3A_316 = vector.shape_cast %get3A_315 : vector<16xi32> to vector<16xi32>
    %get3A_317 = arith.constant 96 : index
    %get3A_318 = tpu.vector_load %arg5[%get3A_317] {strides = array<i32>} : memref<256xi32, #tpu.memory_space<vmem>>, vector<16xi32>,
    %get3A_319 = vector.shape_cast %get3A_318 : vector<16xi32> to vector<16xi32>
    %and3A_320 = arith.constant 31 : i32
    %and3A_321 = vector.broadcast %and3A_320 : i32 to vector<16xi32>
    %and3A_322 = arith.andi %get3A_319, %and3A_321 : vector<16xi32>
    %shift_right_logical3A_323 = arith.shrui %get3A_316, %and3A_322 : vector<16xi32>
    %and3A_324 = arith.constant 1 : i32
    %and3A_325 = vector.broadcast %and3A_324 : i32 to vector<16xi32>
    %and3A_326 = arith.andi %shift_right_logical3A_323, %and3A_325 : vector<16xi32>
    %swap3A_327 = arith.constant 96 : index
    %swap3A_328 = tpu.vector_load %arg8[%swap3A_327] {strides = array<i32>} : memref<256xi32, #tpu.memory_space<vmem>>, vector<16xi32>,
    %swap3A_329 = vector.shape_cast %swap3A_328 : vector<16xi32> to vector<16xi32>
    %swap3A_330 = vector.shape_cast %and3A_326 : vector<16xi32> to vector<16xi32>
    tpu.vector_store %arg8[%swap3A_327], %swap3A_330 {strides = array<i32>} : memref<256xi32, #tpu.memory_space<vmem>>, vector<16xi32>,
    %get3A_331 = arith.constant 112 : index
    %get3A_332 = tpu.vector_load %arg7[%get3A_331] {strides = array<i32>} : memref<256xi32, #tpu.memory_space<vmem>>, vector<16xi32>,
    %get3A_333 = vector.shape_cast %get3A_332 : vector<16xi32> to vector<16xi32>
    %get3A_334 = arith.constant 112 : index
    %get3A_335 = tpu.vector_load %arg5[%get3A_334] {strides = array<i32>} : memref<256xi32, #tpu.memory_space<vmem>>, vector<16xi32>,
    %get3A_336 = vector.shape_cast %get3A_335 : vector<16xi32> to vector<16xi32>
    %and3A_337 = arith.constant 31 : i32
    %and3A_338 = vector.broadcast %and3A_337 : i32 to vector<16xi32>
    %and3A_339 = arith.andi %get3A_336, %and3A_338 : vector<16xi32>
    %shift_right_logical3A_340 = arith.shrui %get3A_333, %and3A_339 : vector<16xi32>
    %and3A_341 = arith.constant 1 : i32
    %and3A_342 = vector.broadcast %and3A_341 : i32 to vector<16xi32>
    %and3A_343 = arith.andi %shift_right_logical3A_340, %and3A_342 : vector<16xi32>
    %swap3A_344 = arith.constant 112 : index
    %swap3A_345 = tpu.vector_load %arg8[%swap3A_344] {strides = array<i32>} : memref<256xi32, #tpu.memory_space<vmem>>, vector<16xi32>,
    %swap3A_346 = vector.shape_cast %swap3A_345 : vector<16xi32> to vector<16xi32>
    %swap3A_347 = vector.shape_cast %and3A_343 : vector<16xi32> to vector<16xi32>
    tpu.vector_store %arg8[%swap3A_344], %swap3A_347 {strides = array<i32>} : memref<256xi32, #tpu.memory_space<vmem>>, vector<16xi32>,
    %get3A_348 = arith.constant 128 : index
    %get3A_349 = tpu.vector_load %arg7[%get3A_348] {strides = array<i32>} : memref<256xi32, #tpu.memory_space<vmem>>, vector<16xi32>,
    %get3A_350 = vector.shape_cast %get3A_349 : vector<16xi32> to vector<16xi32>
    %get3A_351 = arith.constant 128 : index
    %get3A_352 = tpu.vector_load %arg5[%get3A_351] {strides = array<i32>} : memref<256xi32, #tpu.memory_space<vmem>>, vector<16xi32>,
    %get3A_353 = vector.shape_cast %get3A_352 : vector<16xi32> to vector<16xi32>
    %and3A_354 = arith.constant 31 : i32
    %and3A_355 = vector.broadcast %and3A_354 : i32 to vector<16xi32>
    %and3A_356 = arith.andi %get3A_353, %and3A_355 : vector<16xi32>
    %shift_right_logical3A_357 = arith.shrui %get3A_350, %and3A_356 : vector<16xi32>
    %and3A_358 = arith.constant 1 : i32
    %and3A_359 = vector.broadcast %and3A_358 : i32 to vector<16xi32>
    %and3A_360 = arith.andi %shift_right_logical3A_357, %and3A_359 : vector<16xi32>
    %swap3A_361 = arith.constant 128 : index
    %swap3A_362 = tpu.vector_load %arg8[%swap3A_361] {strides = array<i32>} : memref<256xi32, #tpu.memory_space<vmem>>, vector<16xi32>,
    %swap3A_363 = vector.shape_cast %swap3A_362 : vector<16xi32> to vector<16xi32>
    %swap3A_364 = vector.shape_cast %and3A_360 : vector<16xi32> to vector<16xi32>
    tpu.vector_store %arg8[%swap3A_361], %swap3A_364 {strides = array<i32>} : memref<256xi32, #tpu.memory_space<vmem>>, vector<16xi32>,
    %get3A_365 = arith.constant 144 : index
    %get3A_366 = tpu.vector_load %arg7[%get3A_365] {strides = array<i32>} : memref<256xi32, #tpu.memory_space<vmem>>, vector<16xi32>,
    %get3A_367 = vector.shape_cast %get3A_366 : vector<16xi32> to vector<16xi32>
    %get3A_368 = arith.constant 144 : index
    %get3A_369 = tpu.vector_load %arg5[%get3A_368] {strides = array<i32>} : memref<256xi32, #tpu.memory_space<vmem>>, vector<16xi32>,
    %get3A_370 = vector.shape_cast %get3A_369 : vector<16xi32> to vector<16xi32>
    %and3A_371 = arith.constant 31 : i32
    %and3A_372 = vector.broadcast %and3A_371 : i32 to vector<16xi32>
    %and3A_373 = arith.andi %get3A_370, %and3A_372 : vector<16xi32>
    %shift_right_logical3A_374 = arith.shrui %get3A_367, %and3A_373 : vector<16xi32>
    %and3A_375 = arith.constant 1 : i32
    %and3A_376 = vector.broadcast %and3A_375 : i32 to vector<16xi32>
    %and3A_377 = arith.andi %shift_right_logical3A_374, %and3A_376 : vector<16xi32>
    %swap3A_378 = arith.constant 144 : index
    %swap3A_379 = tpu.vector_load %arg8[%swap3A_378] {strides = array<i32>} : memref<256xi32, #tpu.memory_space<vmem>>, vector<16xi32>,
    %swap3A_380 = vector.shape_cast %swap3A_379 : vector<16xi32> to vector<16xi32>
    %swap3A_381 = vector.shape_cast %and3A_377 : vector<16xi32> to vector<16xi32>
    tpu.vector_store %arg8[%swap3A_378], %swap3A_381 {strides = array<i32>} : memref<256xi32, #tpu.memory_space<vmem>>, vector<16xi32>,
    %get3A_382 = arith.constant 160 : index
    %get3A_383 = tpu.vector_load %arg7[%get3A_382] {strides = array<i32>} : memref<256xi32, #tpu.memory_space<vmem>>, vector<16xi32>,
    %get3A_384 = vector.shape_cast %get3A_383 : vector<16xi32> to vector<16xi32>
    %get3A_385 = arith.constant 160 : index
    %get3A_386 = tpu.vector_load %arg5[%get3A_385] {strides = array<i32>} : memref<256xi32, #tpu.memory_space<vmem>>, vector<16xi32>,
    %get3A_387 = vector.shape_cast %get3A_386 : vector<16xi32> to vector<16xi32>
    %and3A_388 = arith.constant 31 : i32
    %and3A_389 = vector.broadcast %and3A_388 : i32 to vector<16xi32>
    %and3A_390 = arith.andi %get3A_387, %and3A_389 : vector<16xi32>
    %shift_right_logical3A_391 = arith.shrui %get3A_384, %and3A_390 : vector<16xi32>
    %and3A_392 = arith.constant 1 : i32
    %and3A_393 = vector.broadcast %and3A_392 : i32 to vector<16xi32>
    %and3A_394 = arith.andi %shift_right_logical3A_391, %and3A_393 : vector<16xi32>
    %swap3A_395 = arith.constant 160 : index
    %swap3A_396 = tpu.vector_load %arg8[%swap3A_395] {strides = array<i32>} : memref<256xi32, #tpu.memory_space<vmem>>, vector<16xi32>,
    %swap3A_397 = vector.shape_cast %swap3A_396 : vector<16xi32> to vector<16xi32>
    %swap3A_398 = vector.shape_cast %and3A_394 : vector<16xi32> to vector<16xi32>
    tpu.vector_store %arg8[%swap3A_395], %swap3A_398 {strides = array<i32>} : memref<256xi32, #tpu.memory_space<vmem>>, vector<16xi32>,
    %get3A_399 = arith.constant 176 : index
    %get3A_400 = tpu.vector_load %arg7[%get3A_399] {strides = array<i32>} : memref<256xi32, #tpu.memory_space<vmem>>, vector<16xi32>,
    %get3A_401 = vector.shape_cast %get3A_400 : vector<16xi32> to vector<16xi32>
    %get3A_402 = arith.constant 176 : index
    %get3A_403 = tpu.vector_load %arg5[%get3A_402] {strides = array<i32>} : memref<256xi32, #tpu.memory_space<vmem>>, vector<16xi32>,
    %get3A_404 = vector.shape_cast %get3A_403 : vector<16xi32> to vector<16xi32>
    %and3A_405 = arith.constant 31 : i32
    %and3A_406 = vector.broadcast %and3A_405 : i32 to vector<16xi32>
    %and3A_407 = arith.andi %get3A_404, %and3A_406 : vector<16xi32>
    %shift_right_logical3A_408 = arith.shrui %get3A_401, %and3A_407 : vector<16xi32>
    %and3A_409 = arith.constant 1 : i32
    %and3A_410 = vector.broadcast %and3A_409 : i32 to vector<16xi32>
    %and3A_411 = arith.andi %shift_right_logical3A_408, %and3A_410 : vector<16xi32>
    %swap3A_412 = arith.constant 176 : index
    %swap3A_413 = tpu.vector_load %arg8[%swap3A_412] {strides = array<i32>} : memref<256xi32, #tpu.memory_space<vmem>>, vector<16xi32>,
    %swap3A_414 = vector.shape_cast %swap3A_413 : vector<16xi32> to vector<16xi32>
    %swap3A_415 = vector.shape_cast %and3A_411 : vector<16xi32> to vector<16xi32>
    tpu.vector_store %arg8[%swap3A_412], %swap3A_415 {strides = array<i32>} : memref<256xi32, #tpu.memory_space<vmem>>, vector<16xi32>,
    %get3A_416 = arith.constant 192 : index
    %get3A_417 = tpu.vector_load %arg7[%get3A_416] {strides = array<i32>} : memref<256xi32, #tpu.memory_space<vmem>>, vector<16xi32>,
    %get3A_418 = vector.shape_cast %get3A_417 : vector<16xi32> to vector<16xi32>
    %get3A_419 = arith.constant 192 : index
    %get3A_420 = tpu.vector_load %arg5[%get3A_419] {strides = array<i32>} : memref<256xi32, #tpu.memory_space<vmem>>, vector<16xi32>,
    %get3A_421 = vector.shape_cast %get3A_420 : vector<16xi32> to vector<16xi32>
    %and3A_422 = arith.constant 31 : i32
    %and3A_423 = vector.broadcast %and3A_422 : i32 to vector<16xi32>
    %and3A_424 = arith.andi %get3A_421, %and3A_423 : vector<16xi32>
    %shift_right_logical3A_425 = arith.shrui %get3A_418, %and3A_424 : vector<16xi32>
    %and3A_426 = arith.constant 1 : i32
    %and3A_427 = vector.broadcast %and3A_426 : i32 to vector<16xi32>
    %and3A_428 = arith.andi %shift_right_logical3A_425, %and3A_427 : vector<16xi32>
    %swap3A_429 = arith.constant 192 : index
    %swap3A_430 = tpu.vector_load %arg8[%swap3A_429] {strides = array<i32>} : memref<256xi32, #tpu.memory_space<vmem>>, vector<16xi32>,
    %swap3A_431 = vector.shape_cast %swap3A_430 : vector<16xi32> to vector<16xi32>
    %swap3A_432 = vector.shape_cast %and3A_428 : vector<16xi32> to vector<16xi32>
    tpu.vector_store %arg8[%swap3A_429], %swap3A_432 {strides = array<i32>} : memref<256xi32, #tpu.memory_space<vmem>>, vector<16xi32>,
    %get3A_433 = arith.constant 208 : index
    %get3A_434 = tpu.vector_load %arg7[%get3A_433] {strides = array<i32>} : memref<256xi32, #tpu.memory_space<vmem>>, vector<16xi32>,
    %get3A_435 = vector.shape_cast %get3A_434 : vector<16xi32> to vector<16xi32>
    %get3A_436 = arith.constant 208 : index
    %get3A_437 = tpu.vector_load %arg5[%get3A_436] {strides = array<i32>} : memref<256xi32, #tpu.memory_space<vmem>>, vector<16xi32>,
    %get3A_438 = vector.shape_cast %get3A_437 : vector<16xi32> to vector<16xi32>
    %and3A_439 = arith.constant 31 : i32
    %and3A_440 = vector.broadcast %and3A_439 : i32 to vector<16xi32>
    %and3A_441 = arith.andi %get3A_438, %and3A_440 : vector<16xi32>
    %shift_right_logical3A_442 = arith.shrui %get3A_435, %and3A_441 : vector<16xi32>
    %and3A_443 = arith.constant 1 : i32
    %and3A_444 = vector.broadcast %and3A_443 : i32 to vector<16xi32>
    %and3A_445 = arith.andi %shift_right_logical3A_442, %and3A_444 : vector<16xi32>
    %swap3A_446 = arith.constant 208 : index
    %swap3A_447 = tpu.vector_load %arg8[%swap3A_446] {strides = array<i32>} : memref<256xi32, #tpu.memory_space<vmem>>, vector<16xi32>,
    %swap3A_448 = vector.shape_cast %swap3A_447 : vector<16xi32> to vector<16xi32>
    %swap3A_449 = vector.shape_cast %and3A_445 : vector<16xi32> to vector<16xi32>
    tpu.vector_store %arg8[%swap3A_446], %swap3A_449 {strides = array<i32>} : memref<256xi32, #tpu.memory_space<vmem>>, vector<16xi32>,
    %get3A_450 = arith.constant 224 : index
    %get3A_451 = tpu.vector_load %arg7[%get3A_450] {strides = array<i32>} : memref<256xi32, #tpu.memory_space<vmem>>, vector<16xi32>,
    %get3A_452 = vector.shape_cast %get3A_451 : vector<16xi32> to vector<16xi32>
    %get3A_453 = arith.constant 224 : index
    %get3A_454 = tpu.vector_load %arg5[%get3A_453] {strides = array<i32>} : memref<256xi32, #tpu.memory_space<vmem>>, vector<16xi32>,
    %get3A_455 = vector.shape_cast %get3A_454 : vector<16xi32> to vector<16xi32>
    %and3A_456 = arith.constant 31 : i32
    %and3A_457 = vector.broadcast %and3A_456 : i32 to vector<16xi32>
    %and3A_458 = arith.andi %get3A_455, %and3A_457 : vector<16xi32>
    %shift_right_logical3A_459 = arith.shrui %get3A_452, %and3A_458 : vector<16xi32>
    %and3A_460 = arith.constant 1 : i32
    %and3A_461 = vector.broadcast %and3A_460 : i32 to vector<16xi32>
    %and3A_462 = arith.andi %shift_right_logical3A_459, %and3A_461 : vector<16xi32>
    %swap3A_463 = arith.constant 224 : index
    %swap3A_464 = tpu.vector_load %arg8[%swap3A_463] {strides = array<i32>} : memref<256xi32, #tpu.memory_space<vmem>>, vector<16xi32>,
    %swap3A_465 = vector.shape_cast %swap3A_464 : vector<16xi32> to vector<16xi32>
    %swap3A_466 = vector.shape_cast %and3A_462 : vector<16xi32> to vector<16xi32>
    tpu.vector_store %arg8[%swap3A_463], %swap3A_466 {strides = array<i32>} : memref<256xi32, #tpu.memory_space<vmem>>, vector<16xi32>,
    %get3A_467 = arith.constant 240 : index
    %get3A_468 = tpu.vector_load %arg7[%get3A_467] {strides = array<i32>} : memref<256xi32, #tpu.memory_space<vmem>>, vector<16xi32>,
    %get3A_469 = vector.shape_cast %get3A_468 : vector<16xi32> to vector<16xi32>
    %get3A_470 = arith.constant 240 : index
    %get3A_471 = tpu.vector_load %arg5[%get3A_470] {strides = array<i32>} : memref<256xi32, #tpu.memory_space<vmem>>, vector<16xi32>,
    %get3A_472 = vector.shape_cast %get3A_471 : vector<16xi32> to vector<16xi32>
    %and3A_473 = arith.constant 31 : i32
    %and3A_474 = vector.broadcast %and3A_473 : i32 to vector<16xi32>
    %and3A_475 = arith.andi %get3A_472, %and3A_474 : vector<16xi32>
    %shift_right_logical3A_476 = arith.shrui %get3A_469, %and3A_475 : vector<16xi32>
    %and3A_477 = arith.constant 1 : i32
    %and3A_478 = vector.broadcast %and3A_477 : i32 to vector<16xi32>
    %and3A_479 = arith.andi %shift_right_logical3A_476, %and3A_478 : vector<16xi32>
    %swap3A_480 = arith.constant 240 : index
    %swap3A_481 = tpu.vector_load %arg8[%swap3A_480] {strides = array<i32>} : memref<256xi32, #tpu.memory_space<vmem>>, vector<16xi32>,
    %swap3A_482 = vector.shape_cast %swap3A_481 : vector<16xi32> to vector<16xi32>
    %swap3A_483 = vector.shape_cast %and3A_479 : vector<16xi32> to vector<16xi32>
    tpu.vector_store %arg8[%swap3A_480], %swap3A_483 {strides = array<i32>} : memref<256xi32, #tpu.memory_space<vmem>>, vector<16xi32>,
    "tpu.region"() ({
      %run_scoped3A_484 = tpu.sem_alloc : memref<!tpu.dma_semaphore, #tpu.memory_space<semaphore_mem>>
      %dma_start3A_485 = tpu.memref_slice %arg4[%mul3A_2] : memref<8192xi32, #tpu.memory_space<hbm>> -> memref<256xi32, #tpu.memory_space<hbm>>
      %dma_start3A_486 = tpu.memref_slice %arg4[%mul3A_2] : memref<8192xi32, #tpu.memory_space<hbm>> -> memref<256xi32, #tpu.memory_space<hbm>>
      tpu.enqueue_dma source(%arg8 : memref<256xi32, #tpu.memory_space<vmem>>) target(%dma_start3A_486 : memref<256xi32, #tpu.memory_space<hbm>>) target_semaphore(%run_scoped3A_484 : memref<!tpu.dma_semaphore, #tpu.memory_space<semaphore_mem>>)
      %dma_wait3A_487 = tpu.memref_slice %arg4[%mul3A_2] : memref<8192xi32, #tpu.memory_space<hbm>> -> memref<256xi32, #tpu.memory_space<hbm>>
      %dma_wait3A_488 = tpu.memref_slice %arg4[%mul3A_2] : memref<8192xi32, #tpu.memory_space<hbm>> -> memref<256xi32, #tpu.memory_space<hbm>>
      tpu.wait_dma2 semaphore(%run_scoped3A_484 : memref<!tpu.dma_semaphore, #tpu.memory_space<semaphore_mem>>) src(%arg8 : memref<256xi32, #tpu.memory_space<vmem>>) dst(%dma_wait3A_488 : memref<256xi32, #tpu.memory_space<hbm>>)
      tpu.yield
    }) : () -> ()
    return
  }
}

module attributes {stable_mosaic.version = 14 : i64} {
  func.func @_hash_repack_body(%arg0: i32, %arg1: memref<4096x512xf32, #tpu.memory_space<vmem>>, %arg2: memref<24x512xf32, #tpu.memory_space<vmem>>, %arg3: memref<2097152xi8, #tpu.memory_space<any>>, %arg4: memref<1x1x4096xi32, #tpu.memory_space<vmem>>, %arg5: memref<262144xi32, #tpu.memory_space<vmem>>, %arg6: memref<1048576xi8, #tpu.memory_space<vmem>>, %arg7: memref<1048576xi8, #tpu.memory_space<vmem>>, %arg8: memref<!tpu.dma_semaphore, #tpu.memory_space<semaphore_mem>>, %arg9: memref<!tpu.dma_semaphore, #tpu.memory_space<semaphore_mem>>) attributes {dimension_semantics = [#tpu.dimension_semantics<arbitrary>], iteration_bounds = array<i64: 2>, scalar_prefetch = 0 : i64, scratch_operands = 4 : i64, tpu.core_type = #tpu.core_type<tc>, window_params = [{transform_indices = @transform_0, window_bounds = array<i64: 4096, 512>}, {pipeline_mode = #tpu.pipeline_mode<synchronous>, transform_indices = @transform_1, window_bounds = array<i64: 24, 512>}, {}, {transform_indices = @transform_3, window_bounds = array<i64: 1, 1, 4096>}, {transform_indices = @transform_4, window_bounds = array<i64: 262144>}]} {
    %eq3A = arith.constant 0 : i32
    %eq3A_0 = arith.cmpi eq, %arg0, %eq3A : i32
    %convert_element_type3A = arith.extui %eq3A_0 : i1 to i32
    %cond3A = arith.constant 0 : i32
    %cond3A_1 = arith.cmpi ne, %convert_element_type3A, %cond3A : i32
    scf.if %cond3A_1 {
      %dma_start3A = arith.constant 0 : i32
      %dma_start3A_138 = tpu.memref_slice %arg3[%dma_start3A] : memref<2097152xi8, #tpu.memory_space<any>> -> memref<1048576xi8, #tpu.memory_space<any>>
      tpu.enqueue_dma source(%dma_start3A_138 : memref<1048576xi8, #tpu.memory_space<any>>) target(%arg6 : memref<1048576xi8, #tpu.memory_space<vmem>>) target_semaphore(%arg8 : memref<!tpu.dma_semaphore, #tpu.memory_space<semaphore_mem>>)
    } else {
    }
    %add3A = arith.constant 1 : i32
    %add3A_2 = arith.addi %arg0, %add3A : i32
    %lt3A = arith.constant 2 : i32
    %lt3A_3 = arith.cmpi slt, %add3A_2, %lt3A : i32
    %jit3A = arith.constant 2 : i32
    %eq3A_4 = arith.constant 0 : i32
    %eq3A_5 = arith.cmpi eq, %jit3A, %eq3A_4 : i32
    %jit3A_6 = arith.constant 1 : i32
    %select_n3A = arith.select %eq3A_5, %jit3A_6, %jit3A : i32
    %rem3A = arith.remsi %arg0, %select_n3A : i32
    %ne3A = arith.constant 0 : i32
    %ne3A_7 = arith.cmpi ne, %rem3A, %ne3A : i32
    %lt3A_8 = arith.constant 0 : i32
    %lt3A_9 = arith.cmpi slt, %rem3A, %lt3A_8 : i32
    %lt3A_10 = arith.constant 0 : i32
    %lt3A_11 = arith.cmpi slt, %select_n3A, %lt3A_10 : i32
    %ne3A_12 = arith.xori %lt3A_9, %lt3A_11 : i1
    %and3A = arith.andi %ne3A_12, %ne3A_7 : i1
    %add3A_13 = arith.addi %rem3A, %select_n3A : i32
    %select_n3A_14 = arith.select %and3A, %add3A_13, %rem3A : i32
    %eq3A_15 = arith.constant 1 : i32
    %eq3A_16 = arith.cmpi eq, %select_n3A_14, %eq3A_15 : i32
    %and3A_17 = arith.andi %lt3A_3, %eq3A_16 : i1
    %convert_element_type3A_18 = arith.extui %and3A_17 : i1 to i32
    %cond3A_19 = arith.constant 0 : i32
    %cond3A_20 = arith.cmpi ne, %convert_element_type3A_18, %cond3A_19 : i32
    scf.if %cond3A_20 {
      %add3A_138 = arith.constant 1 : i32
      %add3A_139 = arith.addi %arg0, %add3A_138 : i32
      %mul3A = arith.constant 1048576 : i32
      %mul3A_140 = arith.muli %add3A_139, %mul3A : i32
      %dma_start3A = tpu.memref_slice %arg3[%mul3A_140] : memref<2097152xi8, #tpu.memory_space<any>> -> memref<1048576xi8, #tpu.memory_space<any>>
      tpu.enqueue_dma source(%dma_start3A : memref<1048576xi8, #tpu.memory_space<any>>) target(%arg6 : memref<1048576xi8, #tpu.memory_space<vmem>>) target_semaphore(%arg8 : memref<!tpu.dma_semaphore, #tpu.memory_space<semaphore_mem>>)
    } else {
    }
    %add3A_21 = arith.constant 1 : i32
    %add3A_22 = arith.addi %arg0, %add3A_21 : i32
    %lt3A_23 = arith.constant 2 : i32
    %lt3A_24 = arith.cmpi slt, %add3A_22, %lt3A_23 : i32
    %jit3A_25 = arith.constant 2 : i32
    %eq3A_26 = arith.constant 0 : i32
    %eq3A_27 = arith.cmpi eq, %jit3A_25, %eq3A_26 : i32
    %jit3A_28 = arith.constant 1 : i32
    %select_n3A_29 = arith.select %eq3A_27, %jit3A_28, %jit3A_25 : i32
    %rem3A_30 = arith.remsi %arg0, %select_n3A_29 : i32
    %ne3A_31 = arith.constant 0 : i32
    %ne3A_32 = arith.cmpi ne, %rem3A_30, %ne3A_31 : i32
    %lt3A_33 = arith.constant 0 : i32
    %lt3A_34 = arith.cmpi slt, %rem3A_30, %lt3A_33 : i32
    %lt3A_35 = arith.constant 0 : i32
    %lt3A_36 = arith.cmpi slt, %select_n3A_29, %lt3A_35 : i32
    %ne3A_37 = arith.xori %lt3A_34, %lt3A_36 : i1
    %and3A_38 = arith.andi %ne3A_37, %ne3A_32 : i1
    %add3A_39 = arith.addi %rem3A_30, %select_n3A_29 : i32
    %select_n3A_40 = arith.select %and3A_38, %add3A_39, %rem3A_30 : i32
    %eq3A_41 = arith.constant 0 : i32
    %eq3A_42 = arith.cmpi eq, %select_n3A_40, %eq3A_41 : i32
    %and3A_43 = arith.andi %lt3A_24, %eq3A_42 : i1
    %convert_element_type3A_44 = arith.extui %and3A_43 : i1 to i32
    %cond3A_45 = arith.constant 0 : i32
    %cond3A_46 = arith.cmpi ne, %convert_element_type3A_44, %cond3A_45 : i32
    scf.if %cond3A_46 {
      %add3A_138 = arith.constant 1 : i32
      %add3A_139 = arith.addi %arg0, %add3A_138 : i32
      %mul3A = arith.constant 1048576 : i32
      %mul3A_140 = arith.muli %add3A_139, %mul3A : i32
      %dma_start3A = tpu.memref_slice %arg3[%mul3A_140] : memref<2097152xi8, #tpu.memory_space<any>> -> memref<1048576xi8, #tpu.memory_space<any>>
      tpu.enqueue_dma source(%dma_start3A : memref<1048576xi8, #tpu.memory_space<any>>) target(%arg7 : memref<1048576xi8, #tpu.memory_space<vmem>>) target_semaphore(%arg9 : memref<!tpu.dma_semaphore, #tpu.memory_space<semaphore_mem>>)
    } else {
    }
    %jit3A_47 = arith.constant 2 : i32
    %eq3A_48 = arith.constant 0 : i32
    %eq3A_49 = arith.cmpi eq, %jit3A_47, %eq3A_48 : i32
    %jit3A_50 = arith.constant 1 : i32
    %select_n3A_51 = arith.select %eq3A_49, %jit3A_50, %jit3A_47 : i32
    %rem3A_52 = arith.remsi %arg0, %select_n3A_51 : i32
    %ne3A_53 = arith.constant 0 : i32
    %ne3A_54 = arith.cmpi ne, %rem3A_52, %ne3A_53 : i32
    %lt3A_55 = arith.constant 0 : i32
    %lt3A_56 = arith.cmpi slt, %rem3A_52, %lt3A_55 : i32
    %lt3A_57 = arith.constant 0 : i32
    %lt3A_58 = arith.cmpi slt, %select_n3A_51, %lt3A_57 : i32
    %ne3A_59 = arith.xori %lt3A_56, %lt3A_58 : i1
    %and3A_60 = arith.andi %ne3A_59, %ne3A_54 : i1
    %add3A_61 = arith.addi %rem3A_52, %select_n3A_51 : i32
    %select_n3A_62 = arith.select %and3A_60, %add3A_61, %rem3A_52 : i32
    %eq3A_63 = arith.constant 0 : i32
    %eq3A_64 = arith.cmpi eq, %select_n3A_62, %eq3A_63 : i32
    %convert_element_type3A_65 = arith.extui %eq3A_64 : i1 to i32
    %cond3A_66 = arith.constant 0 : i32
    %cond3A_67 = arith.cmpi ne, %convert_element_type3A_65, %cond3A_66 : i32
    scf.if %cond3A_67 {
      %mul3A = arith.constant 1048576 : i32
      %mul3A_138 = arith.muli %arg0, %mul3A : i32
      %dma_wait3A = tpu.memref_slice %arg3[%mul3A_138] : memref<2097152xi8, #tpu.memory_space<any>> -> memref<1048576xi8, #tpu.memory_space<any>>
      tpu.wait_dma2 semaphore(%arg8 : memref<!tpu.dma_semaphore, #tpu.memory_space<semaphore_mem>>) src(%dma_wait3A : memref<1048576xi8, #tpu.memory_space<any>>) dst(%arg6 : memref<1048576xi8, #tpu.memory_space<vmem>>)
      %get3A_139 = arith.constant 0 : index
      %get3A_140 = vector.load %arg6[%get3A_139] : memref<1048576xi8, #tpu.memory_space<vmem>>, vector<1048576xi8>
      %reshape3A_141 = vector.shape_cast %get3A_140 : vector<1048576xi8> to vector<8192x128xi8>
      %bitcast3A = tpu.bitcast %reshape3A_141 : vector<8192x128xi8> -> vector<2048x128xi32>
      %reshape3A_142 = vector.shape_cast %bitcast3A : vector<2048x128xi32> to vector<262144xi32>
      %swap3A_143 = arith.constant 0 : index
      %swap3A_144 = vector.load %arg5[%swap3A_143] : memref<262144xi32, #tpu.memory_space<vmem>>, vector<262144xi32>
      tpu.vector_store %arg5[%swap3A_143], %reshape3A_142 {strides = array<i32>} : memref<262144xi32, #tpu.memory_space<vmem>>, vector<262144xi32>,
    } else {
    }
    %jit3A_68 = arith.constant 2 : i32
    %eq3A_69 = arith.constant 0 : i32
    %eq3A_70 = arith.cmpi eq, %jit3A_68, %eq3A_69 : i32
    %jit3A_71 = arith.constant 1 : i32
    %select_n3A_72 = arith.select %eq3A_70, %jit3A_71, %jit3A_68 : i32
    %rem3A_73 = arith.remsi %arg0, %select_n3A_72 : i32
    %ne3A_74 = arith.constant 0 : i32
    %ne3A_75 = arith.cmpi ne, %rem3A_73, %ne3A_74 : i32
    %lt3A_76 = arith.constant 0 : i32
    %lt3A_77 = arith.cmpi slt, %rem3A_73, %lt3A_76 : i32
    %lt3A_78 = arith.constant 0 : i32
    %lt3A_79 = arith.cmpi slt, %select_n3A_72, %lt3A_78 : i32
    %ne3A_80 = arith.xori %lt3A_77, %lt3A_79 : i1
    %and3A_81 = arith.andi %ne3A_80, %ne3A_75 : i1
    %add3A_82 = arith.addi %rem3A_73, %select_n3A_72 : i32
    %select_n3A_83 = arith.select %and3A_81, %add3A_82, %rem3A_73 : i32
    %eq3A_84 = arith.constant 1 : i32
    %eq3A_85 = arith.cmpi eq, %select_n3A_83, %eq3A_84 : i32
    %convert_element_type3A_86 = arith.extui %eq3A_85 : i1 to i32
    %cond3A_87 = arith.constant 0 : i32
    %cond3A_88 = arith.cmpi ne, %convert_element_type3A_86, %cond3A_87 : i32
    scf.if %cond3A_88 {
      %mul3A = arith.constant 1048576 : i32
      %mul3A_138 = arith.muli %arg0, %mul3A : i32
      %dma_wait3A = tpu.memref_slice %arg3[%mul3A_138] : memref<2097152xi8, #tpu.memory_space<any>> -> memref<1048576xi8, #tpu.memory_space<any>>
      tpu.wait_dma2 semaphore(%arg9 : memref<!tpu.dma_semaphore, #tpu.memory_space<semaphore_mem>>) src(%dma_wait3A : memref<1048576xi8, #tpu.memory_space<any>>) dst(%arg7 : memref<1048576xi8, #tpu.memory_space<vmem>>)
      %get3A_139 = arith.constant 0 : index
      %get3A_140 = vector.load %arg7[%get3A_139] : memref<1048576xi8, #tpu.memory_space<vmem>>, vector<1048576xi8>
      %reshape3A_141 = vector.shape_cast %get3A_140 : vector<1048576xi8> to vector<8192x128xi8>
      %bitcast3A = tpu.bitcast %reshape3A_141 : vector<8192x128xi8> -> vector<2048x128xi32>
      %reshape3A_142 = vector.shape_cast %bitcast3A : vector<2048x128xi32> to vector<262144xi32>
      %swap3A_143 = arith.constant 0 : index
      %swap3A_144 = vector.load %arg5[%swap3A_143] : memref<262144xi32, #tpu.memory_space<vmem>>, vector<262144xi32>
      tpu.vector_store %arg5[%swap3A_143], %reshape3A_142 {strides = array<i32>} : memref<262144xi32, #tpu.memory_space<vmem>>, vector<262144xi32>,
    } else {
    }
    %get3A = arith.constant 0 : index
    %get3A_89 = arith.constant 0 : index
    %get3A_90 = vector.load %arg1[%get3A, %get3A_89] : memref<4096x512xf32, #tpu.memory_space<vmem>>, vector<4096x512xf32>
    %get3A_91 = arith.constant 0 : index
    %get3A_92 = arith.constant 0 : index
    %get3A_93 = vector.load %arg2[%get3A_91, %get3A_92] : memref<24x512xf32, #tpu.memory_space<vmem>>, vector<24x512xf32>
    %dot_general3A = arith.constant dense<0.000000e+00> : vector<24x4096xf32>
    %dot_general3A_94 = tpu.matmul %get3A_93, %get3A_90, %dot_general3A {dimension_numbers = #tpu.dot_dimension_numbers<[1], [1], [0], [0], [0, 0, 1, 0], [], []>, transpose_lhs_hint = false} : vector<24x512xf32>, vector<4096x512xf32>, vector<24x4096xf32> -> vector<24x4096xf32>
    %lt3A_95 = arith.constant 0.000000e+00 : f32
    %lt3A_96 = vector.broadcast %lt3A_95 : f32 to vector<24x4096xf32>
    %lt3A_97 = arith.cmpf olt, %dot_general3A_94, %lt3A_96 : vector<24x4096xf32>
    %convert_element_type3A_98 = arith.extui %lt3A_97 : vector<24x4096xi1> to vector<24x4096xi32>
    %convert_element_type3A_99 = arith.sitofp %convert_element_type3A_98 : vector<24x4096xi32> to vector<24x4096xf32>
    %convert_element_type3A_100 = arith.truncf %convert_element_type3A_99 : vector<24x4096xf32> to vector<24x4096xbf16>
    %iota3A = tpu.iota {dimensions = array<i32: 1>} : vector<1x24xi32>
    %shift_left3A = arith.constant 1 : i32
    %shift_left3A_101 = vector.broadcast %shift_left3A : i32 to vector<1x24xi32>
    %shift_left3A_102 = arith.shli %shift_left3A_101, %iota3A : vector<1x24xi32>
    %convert_element_type3A_103 = arith.sitofp %shift_left3A_102 : vector<1x24xi32> to vector<1x24xbf16>
    %dot_general3A_104 = arith.constant dense<0.000000e+00> : vector<1x4096xf32>
    %dot_general3A_105 = tpu.matmul %convert_element_type3A_103, %convert_element_type3A_100, %dot_general3A_104 {dimension_numbers = #tpu.dot_dimension_numbers<[1], [0], [0], [1], [0, 0, 1, 1], [], []>, transpose_lhs_hint = false} : vector<1x24xbf16>, vector<24x4096xbf16>, vector<1x4096xf32> -> vector<1x4096xf32>
    %convert_element_type3A_106 = arith.fptosi %dot_general3A_105 : vector<1x4096xf32> to vector<1x4096xi32>
    %shift_right_logical3A = arith.constant 3 : i32
    %shift_right_logical3A_107 = vector.broadcast %shift_right_logical3A : i32 to vector<1x4096xi32>
    %shift_right_logical3A_108 = arith.shrui %convert_element_type3A_106, %shift_right_logical3A_107 : vector<1x4096xi32>
    %shift_right_logical3A_109 = arith.constant 9 : i32
    %shift_right_logical3A_110 = vector.broadcast %shift_right_logical3A_109 : i32 to vector<1x4096xi32>
    %shift_right_logical3A_111 = arith.shrui %shift_right_logical3A_108, %shift_right_logical3A_110 : vector<1x4096xi32>
    %shift_left3A_112 = arith.constant 7 : i32
    %shift_left3A_113 = vector.broadcast %shift_left3A_112 : i32 to vector<1x4096xi32>
    %shift_left3A_114 = arith.shli %shift_right_logical3A_111, %shift_left3A_113 : vector<1x4096xi32>
    %and3A_115 = arith.constant 127 : i32
    %and3A_116 = vector.broadcast %and3A_115 : i32 to vector<1x4096xi32>
    %and3A_117 = arith.andi %shift_right_logical3A_108, %and3A_116 : vector<1x4096xi32>
    %or3A = arith.ori %shift_left3A_114, %and3A_117 : vector<1x4096xi32>
    %shift_right_logical3A_118 = arith.constant 7 : i32
    %shift_right_logical3A_119 = vector.broadcast %shift_right_logical3A_118 : i32 to vector<1x4096xi32>
    %shift_right_logical3A_120 = arith.shrui %shift_right_logical3A_108, %shift_right_logical3A_119 : vector<1x4096xi32>
    %and3A_121 = arith.constant 3 : i32
    %and3A_122 = vector.broadcast %and3A_121 : i32 to vector<1x4096xi32>
    %and3A_123 = arith.andi %shift_right_logical3A_120, %and3A_122 : vector<1x4096xi32>
    %shift_left3A_124 = arith.constant 3 : i32
    %shift_left3A_125 = vector.broadcast %shift_left3A_124 : i32 to vector<1x4096xi32>
    %shift_left3A_126 = arith.shli %and3A_123, %shift_left3A_125 : vector<1x4096xi32>
    %and3A_127 = arith.constant 7 : i32
    %and3A_128 = vector.broadcast %and3A_127 : i32 to vector<1x4096xi32>
    %and3A_129 = arith.andi %convert_element_type3A_106, %and3A_128 : vector<1x4096xi32>
    %or3A_130 = arith.ori %shift_left3A_126, %and3A_129 : vector<1x4096xi32>
    %shift_left3A_131 = arith.constant 5 : i32
    %shift_left3A_132 = vector.broadcast %shift_left3A_131 : i32 to vector<1x4096xi32>
    %shift_left3A_133 = arith.shli %or3A, %shift_left3A_132 : vector<1x4096xi32>
    %or3A_134 = arith.ori %shift_left3A_133, %or3A_130 : vector<1x4096xi32>
    %reshape3A = vector.shape_cast %or3A_134 : vector<1x4096xi32> to vector<1x1x4096xi32>
    %swap3A = arith.constant 0 : index
    %swap3A_135 = arith.constant 0 : index
    %swap3A_136 = arith.constant 0 : index
    %swap3A_137 = vector.load %arg4[%swap3A, %swap3A_135, %swap3A_136] : memref<1x1x4096xi32, #tpu.memory_space<vmem>>, vector<1x1x4096xi32>
    tpu.vector_store %arg4[%swap3A, %swap3A_135, %swap3A_136], %reshape3A {strides = array<i32>} : memref<1x1x4096xi32, #tpu.memory_space<vmem>>, vector<1x1x4096xi32>,
    return
  }
  func.func @transform_0(%arg0: i32) -> (i32, i32) {
    %c0_i32 = arith.constant 0 : i32
    %c0_i32_0 = arith.constant 0 : i32
    return %arg0, %c0_i32 : i32, i32
  }
  func.func @transform_1(%arg0: i32) -> (i32, i32) {
    %c0_i32 = arith.constant 0 : i32
    %c0_i32_0 = arith.constant 0 : i32
    %c0_i32_1 = arith.constant 0 : i32
    return %c0_i32, %c0_i32_0 : i32, i32
  }
  func.func @transform_3(%arg0: i32) -> (i32, i32, i32) {
    %c0_i32 = arith.constant 0 : i32
    %c0_i32_0 = arith.constant 0 : i32
    %c0_i32_1 = arith.constant 0 : i32
    return %arg0, %c0_i32, %c0_i32_0 : i32, i32, i32
  }
  func.func @transform_4(%arg0: i32) -> i32 {
    %c0_i32 = arith.constant 0 : i32
    return %arg0 : i32
  }
}

module attributes {stable_mosaic.version = 14 : i64} {
  func.func @_hash_only_body(%arg0: i32, %arg1: memref<4096x512xf32, #tpu.memory_space<vmem>>, %arg2: memref<24x512xf32, #tpu.memory_space<vmem>>, %arg3: memref<1x1x4096xi32, #tpu.memory_space<vmem>>) attributes {dimension_semantics = [#tpu.dimension_semantics<arbitrary>], iteration_bounds = array<i64: 2>, scalar_prefetch = 0 : i64, scratch_operands = 0 : i64, tpu.core_type = #tpu.core_type<tc>, window_params = [{transform_indices = @transform_0, window_bounds = array<i64: 4096, 512>}, {pipeline_mode = #tpu.pipeline_mode<synchronous>, transform_indices = @transform_1, window_bounds = array<i64: 24, 512>}, {transform_indices = @transform_2, window_bounds = array<i64: 1, 1, 4096>}]} {
    %get3A = arith.constant 0 : index
    %get3A_0 = arith.constant 0 : index
    %get3A_1 = vector.load %arg1[%get3A, %get3A_0] : memref<4096x512xf32, #tpu.memory_space<vmem>>, vector<4096x512xf32>
    %get3A_2 = arith.constant 0 : index
    %get3A_3 = arith.constant 0 : index
    %get3A_4 = vector.load %arg2[%get3A_2, %get3A_3] : memref<24x512xf32, #tpu.memory_space<vmem>>, vector<24x512xf32>
    %dot_general3A = arith.constant dense<0.000000e+00> : vector<24x4096xf32>
    %dot_general3A_5 = tpu.matmul %get3A_4, %get3A_1, %dot_general3A {dimension_numbers = #tpu.dot_dimension_numbers<[1], [1], [0], [0], [0, 0, 1, 0], [], []>, transpose_lhs_hint = false} : vector<24x512xf32>, vector<4096x512xf32>, vector<24x4096xf32> -> vector<24x4096xf32>
    %lt3A = arith.constant 0.000000e+00 : f32
    %lt3A_6 = vector.broadcast %lt3A : f32 to vector<24x4096xf32>
    %lt3A_7 = arith.cmpf olt, %dot_general3A_5, %lt3A_6 : vector<24x4096xf32>
    %convert_element_type3A = arith.extui %lt3A_7 : vector<24x4096xi1> to vector<24x4096xi32>
    %convert_element_type3A_8 = arith.sitofp %convert_element_type3A : vector<24x4096xi32> to vector<24x4096xf32>
    %convert_element_type3A_9 = arith.truncf %convert_element_type3A_8 : vector<24x4096xf32> to vector<24x4096xbf16>
    %iota3A = tpu.iota {dimensions = array<i32: 1>} : vector<1x24xi32>
    %shift_left3A = arith.constant 1 : i32
    %shift_left3A_10 = vector.broadcast %shift_left3A : i32 to vector<1x24xi32>
    %shift_left3A_11 = arith.shli %shift_left3A_10, %iota3A : vector<1x24xi32>
    %convert_element_type3A_12 = arith.sitofp %shift_left3A_11 : vector<1x24xi32> to vector<1x24xbf16>
    %dot_general3A_13 = arith.constant dense<0.000000e+00> : vector<1x4096xf32>
    %dot_general3A_14 = tpu.matmul %convert_element_type3A_12, %convert_element_type3A_9, %dot_general3A_13 {dimension_numbers = #tpu.dot_dimension_numbers<[1], [0], [0], [1], [0, 0, 1, 1], [], []>, transpose_lhs_hint = false} : vector<1x24xbf16>, vector<24x4096xbf16>, vector<1x4096xf32> -> vector<1x4096xf32>
    %convert_element_type3A_15 = arith.fptosi %dot_general3A_14 : vector<1x4096xf32> to vector<1x4096xi32>
    %shift_right_logical3A = arith.constant 3 : i32
    %shift_right_logical3A_16 = vector.broadcast %shift_right_logical3A : i32 to vector<1x4096xi32>
    %shift_right_logical3A_17 = arith.shrui %convert_element_type3A_15, %shift_right_logical3A_16 : vector<1x4096xi32>
    %shift_right_logical3A_18 = arith.constant 9 : i32
    %shift_right_logical3A_19 = vector.broadcast %shift_right_logical3A_18 : i32 to vector<1x4096xi32>
    %shift_right_logical3A_20 = arith.shrui %shift_right_logical3A_17, %shift_right_logical3A_19 : vector<1x4096xi32>
    %shift_left3A_21 = arith.constant 7 : i32
    %shift_left3A_22 = vector.broadcast %shift_left3A_21 : i32 to vector<1x4096xi32>
    %shift_left3A_23 = arith.shli %shift_right_logical3A_20, %shift_left3A_22 : vector<1x4096xi32>
    %and3A = arith.constant 127 : i32
    %and3A_24 = vector.broadcast %and3A : i32 to vector<1x4096xi32>
    %and3A_25 = arith.andi %shift_right_logical3A_17, %and3A_24 : vector<1x4096xi32>
    %or3A = arith.ori %shift_left3A_23, %and3A_25 : vector<1x4096xi32>
    %shift_right_logical3A_26 = arith.constant 7 : i32
    %shift_right_logical3A_27 = vector.broadcast %shift_right_logical3A_26 : i32 to vector<1x4096xi32>
    %shift_right_logical3A_28 = arith.shrui %shift_right_logical3A_17, %shift_right_logical3A_27 : vector<1x4096xi32>
    %and3A_29 = arith.constant 3 : i32
    %and3A_30 = vector.broadcast %and3A_29 : i32 to vector<1x4096xi32>
    %and3A_31 = arith.andi %shift_right_logical3A_28, %and3A_30 : vector<1x4096xi32>
    %shift_left3A_32 = arith.constant 3 : i32
    %shift_left3A_33 = vector.broadcast %shift_left3A_32 : i32 to vector<1x4096xi32>
    %shift_left3A_34 = arith.shli %and3A_31, %shift_left3A_33 : vector<1x4096xi32>
    %and3A_35 = arith.constant 7 : i32
    %and3A_36 = vector.broadcast %and3A_35 : i32 to vector<1x4096xi32>
    %and3A_37 = arith.andi %convert_element_type3A_15, %and3A_36 : vector<1x4096xi32>
    %or3A_38 = arith.ori %shift_left3A_34, %and3A_37 : vector<1x4096xi32>
    %shift_left3A_39 = arith.constant 5 : i32
    %shift_left3A_40 = vector.broadcast %shift_left3A_39 : i32 to vector<1x4096xi32>
    %shift_left3A_41 = arith.shli %or3A, %shift_left3A_40 : vector<1x4096xi32>
    %or3A_42 = arith.ori %shift_left3A_41, %or3A_38 : vector<1x4096xi32>
    %reshape3A = vector.shape_cast %or3A_42 : vector<1x4096xi32> to vector<1x1x4096xi32>
    %swap3A = arith.constant 0 : index
    %swap3A_43 = arith.constant 0 : index
    %swap3A_44 = arith.constant 0 : index
    %swap3A_45 = vector.load %arg3[%swap3A, %swap3A_43, %swap3A_44] : memref<1x1x4096xi32, #tpu.memory_space<vmem>>, vector<1x1x4096xi32>
    tpu.vector_store %arg3[%swap3A, %swap3A_43, %swap3A_44], %reshape3A {strides = array<i32>} : memref<1x1x4096xi32, #tpu.memory_space<vmem>>, vector<1x1x4096xi32>,
    return
  }
  func.func @transform_0(%arg0: i32) -> (i32, i32) {
    %add3A = arith.constant 2 : i32
    %add3A_0 = arith.addi %arg0, %add3A : i32
    %c0_i32 = arith.constant 0 : i32
    %c0_i32_1 = arith.constant 0 : i32
    return %add3A_0, %c0_i32 : i32, i32
  }
  func.func @transform_1(%arg0: i32) -> (i32, i32) {
    %c0_i32 = arith.constant 0 : i32
    %c0_i32_0 = arith.constant 0 : i32
    %c0_i32_1 = arith.constant 0 : i32
    return %c0_i32, %c0_i32_0 : i32, i32
  }
  func.func @transform_2(%arg0: i32) -> (i32, i32, i32) {
    %c0_i32 = arith.constant 0 : i32
    %c0_i32_0 = arith.constant 0 : i32
    %c0_i32_1 = arith.constant 0 : i32
    return %arg0, %c0_i32, %c0_i32_0 : i32, i32, i32
  }
}

</mosaic_0001>

<sc_bundles>
// kernel: kernel.6.cloned.1.call-start
scs
__scs_entry_jumppad:
0x0: {  	(pc) =	sbr.rel $0x88, $3  }
0x1: {  	(tag) =	ssettag $0x0;
	lr =	simm.s32 $0x1  }
0x2: {  	[smem:$0x3F9E] =	sst lr;
	_ =	strace $0xD0000000  }
0x3: {  	_ = 	snop  }
0x4: {  	_ = 	snop  }
0x5: {  	_ = 	snop  }
0x6: {  	_ = 	snop  }
0x7: {  	_ = 	snop  }
__scs_overlays_trampoline_lowered:
0x8: {  	[smem:$0x3FAD] =	sst s0  }
0x9: {  	[smem:$0x3FAE] =	sst s1  }
0xa: {  	[smem:$0x3FAF] =	sst s2  }
0xb: {  	[smem:$0x3FB0] =	sst s3  }
0xc: {  	[smem:$0x3FB1] =	sst s4  }
0xd: {  	[smem:$0x3FB2] =	sst s5  }
0xe: {  	[smem:$0x3FB3] =	sst s6  }
0xf: {  	[smem:$0x3FB4] =	sst s7  }
0x10: {  	[smem:$0x3FB5] =	sst s8  }
0x11: {  	[smem:$0x3FB6] =	sst s9;
	s0 =	simm.s32 @!p0 $0x0  }
0x12: {  	s1 =	sld [smem:$0x3F9C];
	s0 =	simm.s32 @p0 $0x1  }
0x13: {  	[smem:$0x3FB7] =	sst s0;
	s0 =	simm.s32 @!p1 $0x0  }
0x14: {  	s2 =	sld [smem:$0x3F9B];
	s0 =	simm.s32 @p1 $0x1  }
0x15: {  	[smem:$0x3FB8] =	sst s0;
	s0 =	simm.s32 @!p2 $0x0  }
0x16: {  	s3 =	sld [smem:$0x3FDB];
	s0 =	simm.s32 @p2 $0x1  }
0x17: {  	s4 =	simm.s32 $0x1BF5;
	[smem:$0x3FBA] =	sst s0  }
0x18: {  	s0 =	sld [smem:$0x3F9D];
	_ =	swait.ge [sflag:s4], $0x0  }
0x19: {  	s7 =	sld [smem:$0x3F9E]  }
0x1a: {  	s8 =	sadd.s32 $0xFFFFE003, lr  }
0x1b: {  	s9 =	sadd.s32 $0xFFFFFEF7, lr;
	s5 =	simm.s32 $0xFFFFFFFF;
	p2 =	slt.u32 s8, $0xFFFFF086  }
0x1c: {  	p1 =	slt.u32 s9, $0xF7A;
	s5 =	simm.s32 @!p2 $0x0  }
0x1d: {  	s5 =	simm.s32 @p1 $0x1;
	p0 =	seq.s32 s7, s2  }
0x1e: {  	s7 =	smul.u32 @!p0 $0xF7A, s2;
	p2 =	seq.s32 @!p0 s5, $0x0  }
0x1f: {  	s9 =	smul.u32 $0xF7A, s1;
	s8 =	simm.s32 @!p0 $0x1BF5;
	p2 =	por !p2, p0  }
0x20: {  	[sflag:s8] =	ssyncset.s32 @!p0 $0xFFFFF086;
	s6 =	sadd.s32 @!p0 s3, s7;
	s7 =	simm.s32 @!p0 $0x108  }
0x21: {  	s3 =	sadd.s32 s3, s9;
	s6 =	sadd.s32 @!p0 $0x88, s6;
	s7 =	simm.s32 @p2 $0x1082  }
0x22: {  	[simem:s7], [sflag:s8] =	dma.local @!p0 [hbm:s6], $0xF7A  }
0x23: {  	s9 =	sor.u32 $0xD0000000, s2;
	s6 =	simm.s32 $0x108;
	_ =	swait.ge @!p0 [sflag:s8], $0x0  }
0x24: {  	s3 =	sadd.s32 $0x88, s3;
	s6 =	simm.s32 @!p1 $0x1082;
	[sflag:s4] =	ssyncset.s32 $0xFFFFF086  }
0x25: {  	[simem:s6], [sflag:s4] =	dma.local [hbm:s3], $0xF7A  }
0x26: {  	[smem:$0x3F9E] =	sst s1;
	(tag) =	ssettag s2;
	_ =	strace s9  }
0x27: {  	s1 =	sld [smem:$0x3FAE]  }
0x28: {  	s2 =	sld [smem:$0x3FAF]  }
0x29: {  	s4 =	sld [smem:$0x3FB1]  }
0x2a: {  	p0 =	seq.s32 s5, $0x0;
	s5 =	sld [smem:$0x3FB2]  }
0x2b: {  	s6 =	sld [smem:$0x3FB3]  }
0x2c: {  	s7 =	sld [smem:$0x3FB4]  }
0x2d: {  	s3 =	simm.s32 $0x108;
	s8 =	sld [smem:$0x3FB5]  }
0x2e: {  	s3 =	simm.s32 @!p0 $0x1082;
	s9 =	sld [smem:$0x3FB6]  }
0x2f: {  	lr =	sadd.s32 s0, s3;
	s0 =	sld [smem:$0x3FAD]  }
0x30: {  	s3 =	sld [smem:$0x3FB0]  }
0x31: {  	[smem:$0x3FB9] =	sst s10  }
0x32: {  	s10 =	sld [smem:$0x3FB7];
	_ =	sdelay $0x3  }
0x33: {  	p0 =	seq.s32 s10, $0x1;
	s10 =	sld [smem:$0x3FB9];
	_ =	sdelay $0x3  }
0x34: {  	[smem:$0x3FB9] =	sst s10  }
0x35: {  	s10 =	sld [smem:$0x3FB8];
	_ =	sdelay $0x3  }
0x36: {  	p1 =	seq.s32 s10, $0x1;
	s10 =	sld [smem:$0x3FB9];
	_ =	sdelay $0x3  }
0x37: {  	[smem:$0x3FB9] =	sst s10  }
0x38: {  	s10 =	sld [smem:$0x3FBA]  }
0x39: {  	_ = 	snop;
	(pc) =	sbr.ind lr, $3  }
0x3a: {  	_ = 	snop  }
0x3b: {  	_ = 	snop  }
0x3c: {  	p2 =	seq.s32 s10, $0x1;
	s10 =	sld [smem:$0x3FB9]  }
0x3d: {  	_ =	shalt  }
0x3e: {  	_ =	shalt  }
0x3f: {  	_ =	shalt  }
0x40: {  	_ =	shalt  }
0x41: {  	_ =	shalt  }
0x42: {  	_ =	shalt  }
0x43: {  	_ =	shalt  }
0x44: {  	_ =	shalt  }
0x45: {  	_ =	shalt  }
0x46: {  	_ =	shalt  }
0x47: {  	_ =	shalt  }
0x48: {  	_ =	shalt  }
0x49: {  	_ =	shalt  }
0x4a: {  	_ =	shalt  }
0x4b: {  	_ =	shalt  }
0x4c: {  	_ =	shalt  }
0x4d: {  	_ =	shalt  }
0x4e: {  	_ =	shalt  }
0x4f: {  	_ =	shalt  }
0x50: {  	_ =	shalt  }
0x51: {  	_ =	shalt  }
0x52: {  	_ =	shalt  }
0x53: {  	_ =	shalt  }
0x54: {  	_ =	shalt  }
0x55: {  	_ =	shalt  }
0x56: {  	_ =	shalt  }
0x57: {  	_ =	shalt  }
0x58: {  	_ =	shalt  }
0x59: {  	_ =	shalt  }
0x5a: {  	_ =	shalt  }
0x5b: {  	_ =	shalt  }
0x5c: {  	_ =	shalt  }
0x5d: {  	_ =	shalt  }
0x5e: {  	_ =	shalt  }
0x5f: {  	_ =	shalt  }
0x60: {  	_ =	shalt  }
0x61: {  	_ =	shalt  }
0x62: {  	_ =	shalt  }
0x63: {  	_ =	shalt  }
0x64: {  	_ =	shalt  }
0x65: {  	_ =	shalt  }
0x66: {  	_ =	shalt  }
0x67: {  	_ =	shalt  }
0x68: {  	_ =	shalt  }
0x69: {  	_ =	shalt  }
0x6a: {  	_ =	shalt  }
0x6b: {  	_ =	shalt  }
0x6c: {  	_ =	shalt  }
0x6d: {  	_ =	shalt  }
0x6e: {  	_ =	shalt  }
0x6f: {  	_ =	shalt  }
0x70: {  	_ =	shalt  }
0x71: {  	_ =	shalt  }
0x72: {  	_ =	shalt  }
0x73: {  	_ =	shalt  }
0x74: {  	_ =	shalt  }
0x75: {  	_ =	shalt  }
0x76: {  	_ =	shalt  }
0x77: {  	_ =	shalt  }
0x78: {  	_ =	shalt  }
0x79: {  	_ =	shalt  }
0x7a: {  	_ =	shalt  }
0x7b: {  	_ =	shalt  }
0x7c: {  	_ =	shalt  }
0x7d: {  	_ =	shalt  }
0x7e: {  	_ =	shalt  }
0x7f: {  	_ =	shalt  }
0x80: {  	_ =	shalt  }
0x81: {  	_ =	shalt  }
0x82: {  	_ =	shalt  }
0x83: {  	_ =	shalt  }
0x84: {  	_ =	shalt  }
0x85: {  	_ =	shalt  }
0x86: {  	_ =	shalt  }
0x87: {  	_ =	shalt  }
.Lfunc_end0:
.L_simem_size_0:
called_computation_lowered:
.L_overlay_start_0:
0x88: {  	s2 =	sld [smem:$0x3FD9]  }
0x89: {  	s3 =	sld [smem:$0x3FFE];
	_ =	sdelay $0x1  }
0x8a: {  	s1 =	srdreg.scid  }
0x8b: {  	s0 =	sand.u32 $0x1, s1  }
0x8c: {  	s16 =	sshll.u32 s0, $0xA;
	s2 =	sadd.s32 s3, s2  }
0x8d: {  	s2 =	sadd.s32 s2, s16  }
0x8e: {  	[smem:$0x3FC5] =	sst s2  }
0x8f: {  	_ = 	snop  }
0x90: {  	(tm) =	ssettm $0x1  }
0x91: {  	s17 =	sld [smem:$0x3FFB];
	_ =	sdelay $0x3  }
0x92: {  	_ =	strace s17  }
0x93: {  	s2 =	sld [smem:$0x3FFC];
	_ =	sdelay $0x3  }
0x94: {  	_ =	strace s2  }
0x95: {  	s2 =	sld [smem:$0x3FFD];
	_ =	sdelay $0x3  }
0x96: {  	_ =	strace s2  }
0x97: {  	_ =	strace $0x8FFFFFFF  }
0x98: {  	s18 =	sld [smem:$0x3FDB];
	_ =	sdelay $0x1  }
0x99: {  	s19 =	simm.s32 $_scs_section_size  }
0x9a: {  	s4 =	simm.s32 $_size__tile_overlayer_lowered;
	s5 =	simm.s32 $_tile_overlayer_lowered  }
0x9b: {  	s22 =	simm.s32 $0x1BFF;
	s21 =	sshll.u32 s5, $0x1;
	s2 =	sadd.s32 s19, s18  }
0x9c: {  	s6 =	simm.s32 $0x0;
	s20 =	sshll.u32 s4, $0x1;
	s4 =	sadd.s32 s21, s2  }
0x9d: {  	[timem:s6], [sflag:s22] =	dma.local [hbm:s4], s20  }
0x9e: {  	_ =	swait.ge [sflag:s22], s20  }
0x9f: {  	s3 =	ssub.s32 $0x0, s20;
	[sflag:s22] =	ssyncset.done $0x0  }
0xa0: {  	[sflag:s22] =	ssyncadd.s32 s3;
	_ =	sdelay $0x1  }
0xa1: {  	s23 =	simm.s32 $0x1B8B  }
0xa2: {  	_ =	swait.ge [sflag:s23], $0x1  }
0xa3: {  	[sflag:s23] =	ssyncset.done $0x0  }
0xa4: {  	s25 =	simm.s32 $0x1B8E;
	s24 =	sld [smem:$0x3FFE];
	[sflag:s23] =	ssyncadd.s32 $0xFFFFFFFF  }
0xa5: {  	s26 =	simm.s32 $execute0_lowered;
	[smem:$0x3FD2] =	sst s25  }
0xa6: {  	s4 =	sshll.u32 s26, $0x1;
	_ =	strace $0x80000046;
	[dreg:$0x1] =	wrdreg $0xFFFFFFFF  }
0xa7: {  	s28 =	simm.s32 $_size_execute0_lowered;
	s2 =	sadd.s32 s2, s4;
	[dreg:$0x0] =	wrdreg $0x0  }
0xa8: {  	s4 =	sshll.u32 s28, $0x1;
	[dreg:$0x2] =	wrdreg s2  }
0xa9: {  	[dreg:$0x3] =	wrdreg s4  }
0xaa: {  	[dreg:$0x4] =	wrdreg $0xC0  }
0xab: {  	_ =	task [dreg:s6], $0x5FFFF  }
0xac: {  	[dreg:$0x1] =	wrdreg $0xFFFFFFFF  }
0xad: {  	[dreg:$0x0] =	wrdreg $0x60  }
0xae: {  	[dreg:$0x2] =	wrdreg s24  }
0xaf: {  	[dreg:$0x3] =	wrdreg $0x9  }
0xb0: {  	_ =	task.clear_ibuf [dreg:s6], $0x4FFFF;
	_ =	strace $0x90000046  }
0xb1: {  	s29 =	simm.s32 $0x9;
	_ =	strace $0x80000048  }
0xb2: {  	_ =	swait.ge [sflag:s29], $0x1  }
0xb3: {  	[sflag:s29] =	ssyncadd.s32 $0xFFFFFFFF  }
0xb4: {  	_ =	strace $0x90000048  }
0xb5: {  	_ =	sfence  }
0xb6: {  	s30 =	sld [smem:$0x0];
	_ =	sdelay $0x2  }
0xb7: {  	s31 =	sshll.u32 s1, $0xD;
	s1 =	sshrl.u32 s1, $0x2  }
0xb8: {  	s3 =	sand.u32 $0x4000, s31;
	s1 =	sadd.s32 s1, s30  }
0xb9: {  	s0 =	sor.u32 s3, s0;
	s1 =	sshll.u32 s1, $0x11  }
0xba: {  	s0 =	sor.u32 s1, s0  }
0xbb: {  	s0 =	sadd.s32 $0x8F2B, s0  }
0xbc: {  	[sflag:s0] =	ssyncadd.remote.s32 $0x1  }
0xbd: {  	_ =	sfence.sel $0xFFFF  }
0xbe: {  	[dreg:$0x0] =	wrdreg $0xFFFFFFFF;
	(pc) =	sbr.abs _section_cstart, $3  }
0xbf: {  	[dreg:$0x1] =	wrdreg $0xFFFFFFFF  }
0xc0: {  	_ =	task.clear_ibuf [dreg:s6], $0x2FFFF;
	_ =	strace $0x9FFFFFFF  }
0xc1: {  	(tm) =	ssettm $0x7FFFFFFF  }
tec
execute0_lowered:
.L_overlay_start_1:
0x0: {  	(tag) =	ssettag $0x1  }
0x1: {  	s4 =	rddreg [dreg:$0x0]  }
0x2: {  	s0 =	rddreg [dreg:$0x1];
	s3 =	srdreg.scid  }
0x3: {  	s2 =	simm.s32 $0x0;
	s1 =	stileid.u32;
	s7 =	simm.s32 $0x2  }
0x4: {  	s8 =	simm.s32 $0x80;
	s9 =	simm.s32 $0x100;
	s10 =	simm.s32 $0x200  }
0x5: {  	s11 =	simm.s32 $0x180;
	s12 =	simm.s32 $0x280;
	s13 =	simm.s32 $0x1  }
0x6: {  	s14 =	simm.s32 $0x300;
	s3 =	sand.u32 $0x1, s3;
	[smem:$0x7FF] =	sst s2  }
0x7: {  	s5 =	sshll.u32 s1, $0x6;
	s6 =	sshll.u32 s3, $0x5;
	s30 =	ssub.s32 $0x2, s3  }
0x8: {  	_ =	strace $0x80000047;
	s5 =	sor.u32 s6, s5;
	s31 =	sshrl.u32 s30, $0x1  }
0x9: {  	s3 =	sadd.s32 $0x1600, s4;
	s5 =	sadd.s32 s5, s4;
	s6 =	ssub.s32 s30, s31  }
0xa: {  	s4 =	sadd.s32 $0x11600, s5;
	s5 =	sadd.s32 $0x11A00, s5;
	s6 =	smax.u32 s6, $0x1  }
.LBB2_1:
0xb: {  	[tilespmem:s2], [sflag:$0x2] =	stream.linear.gather [hbm4b:s4+s2], $0x100, $0x38;
	[tilespmem:$0x400] =	vst v63  }
0xc: {  	_ =	swait.ge [sflag:s7], $0x100  }
0xd: {  	[sflag:s7] =	ssyncset.done $0x0  }
0xe: {  	[sflag:s7] =	ssyncadd.s32 $0xFFFFFF00  }
0xf: {  	v0 =	vld [tilespmem:$0x0]  }
0x10: {  	v1 =	vld [tilespmem:$0x10]  }
0x11: {  	v2 =	vld [tilespmem:$0x20]  }
0x12: {  	v3 =	vld [tilespmem:$0x30]  }
0x13: {  	v4 =	vld [tilespmem:$0x40]  }
0x14: {  	v5 =	vld [tilespmem:$0x50];
	v0 =	vshrl.u32 v0, $0x5  }
0x15: {  	v29 =	vld [tilespmem:$0x60];
	v28 =	vshrl.u32 v1, $0x5;
	[tilespmem:$0x100] =	vst v0  }
0x16: {  	v31 =	vld [tilespmem:$0x70];
	v30 =	vshrl.u32 v2, $0x5;
	[tilespmem:$0x110] =	vst v28  }
0x17: {  	v32 =	vshrl.u32 v3, $0x5;
	[tilespmem:$0x120] =	vst v30  }
0x18: {  	v33 =	vshrl.u32 v4, $0x5;
	[tilespmem:$0x130] =	vst v32  }
0x19: {  	v34 =	vshrl.u32 v5, $0x5;
	[tilespmem:$0x140] =	vst v33  }
0x1a: {  	v35 =	vshrl.u32 v29, $0x5;
	[tilespmem:$0x150] =	vst v34  }
0x1b: {  	v36 =	vshrl.u32 v31, $0x5;
	[tilespmem:$0x160] =	vst v35  }
0x1c: {  	[tilespmem:$0x170] =	vst v36  }
0x1d: {  	[tilespmem:s10], [sflag:$0x1] =	stream.indirect.gather [hbm4b:s3+s8], $0x1, s9, s8, $0xb8;
	[tilespmem:$0x400] =	vst v63  }
0x1e: {  	v37 =	vld [tilespmem:$0x80]  }
0x1f: {  	v38 =	vld [tilespmem:$0x90]  }
0x20: {  	v39 =	vld [tilespmem:$0xA0]  }
0x21: {  	v40 =	vld [tilespmem:$0xB0]  }
0x22: {  	v41 =	vld [tilespmem:$0xC0]  }
0x23: {  	v42 =	vld [tilespmem:$0xD0];
	v0 =	vshrl.u32 v37, $0x5  }
0x24: {  	v44 =	vld [tilespmem:$0xE0];
	v43 =	vshrl.u32 v38, $0x5;
	[tilespmem:$0x180] =	vst v0  }
0x25: {  	v46 =	vld [tilespmem:$0xF0];
	v45 =	vshrl.u32 v39, $0x5;
	[tilespmem:$0x190] =	vst v43  }
0x26: {  	v47 =	vshrl.u32 v40, $0x5;
	[tilespmem:$0x1A0] =	vst v45  }
0x27: {  	v48 =	vshrl.u32 v41, $0x5;
	[tilespmem:$0x1B0] =	vst v47  }
0x28: {  	v49 =	vshrl.u32 v42, $0x5;
	[tilespmem:$0x1C0] =	vst v48  }
0x29: {  	v50 =	vshrl.u32 v44, $0x5;
	[tilespmem:$0x1D0] =	vst v49  }
0x2a: {  	v51 =	vshrl.u32 v46, $0x5;
	[tilespmem:$0x1E0] =	vst v50  }
0x2b: {  	[tilespmem:$0x1F0] =	vst v51  }
0x2c: {  	[tilespmem:s12], [sflag:$0x1] =	stream.indirect.gather [hbm4b:s3+s8], $0x1, s11, s8, $0xb8;
	[tilespmem:$0x400] =	vst v63  }
0x2d: {  	_ =	swait.ge [sflag:s13], $0x80  }
0x2e: {  	[sflag:s13] =	ssyncset.done $0x0  }
0x2f: {  	[sflag:s13] =	ssyncadd.s32 $0xFFFFFF80  }
0x30: {  	_ =	swait.ge [sflag:s13], $0x80  }
0x31: {  	[sflag:s13] =	ssyncset.done $0x0  }
0x32: {  	[sflag:s13] =	ssyncadd.s32 $0xFFFFFF80  }
0x33: {  	v52 =	vld [tilespmem:$0x200]  }
0x34: {  	v53 =	vld [tilespmem:$0x0]  }
0x35: {  	v54 =	vld [tilespmem:$0x210]  }
0x36: {  	v55 =	vld [tilespmem:$0x10]  }
0x37: {  	v56 =	vld [tilespmem:$0x220]  }
0x38: {  	v57 =	vld [tilespmem:$0x20]  }
0x39: {  	v6 =	vld [tilespmem:$0x230]  }
0x3a: {  	v7 =	vld [tilespmem:$0x30]  }
0x3b: {  	v8 =	vld [tilespmem:$0x240]  }
0x3c: {  	v9 =	vld [tilespmem:$0x40]  }
0x3d: {  	v10 =	vld [tilespmem:$0x250]  }
0x3e: {  	v11 =	vld [tilespmem:$0x50]  }
0x3f: {  	v12 =	vld [tilespmem:$0x260]  }
0x40: {  	v13 =	vld [tilespmem:$0x60]  }
0x41: {  	v14 =	vld [tilespmem:$0x270]  }
0x42: {  	v15 =	vld [tilespmem:$0x70]  }
0x43: {  	v16 =	vld [tilespmem:$0x280]  }
0x44: {  	v17 =	vld [tilespmem:$0x80]  }
0x45: {  	v18 =	vld [tilespmem:$0x290]  }
0x46: {  	v19 =	vld [tilespmem:$0x90]  }
0x47: {  	v20 =	vld [tilespmem:$0x2A0];
	v1 =	vand.u32 $0x1F, v53  }
0x48: {  	v59 =	vld [tilespmem:$0xA0];
	v58 =	vand.u32 $0x1F, v55;
	v0 =	vshrl.u32 v52, v1  }
0x49: {  	v61 =	vld [tilespmem:$0x2B0];
	v60 =	vand.u32 $0x1F, v57;
	v1 =	vshrl.u32 v54, v58;
	v0 =	vand.u32 $0x1, v0  }
0x4a: {  	v22 =	vld [tilespmem:$0xB0];
	v21 =	vand.u32 $0x1F, v7;
	v63 =	vshrl.u32 v56, v60;
	v62 =	vand.u32 $0x1, v1;
	[tilespmem:$0x300] =	vst v0  }
0x4b: {  	v26 =	vld [tilespmem:$0x2C0];
	v25 =	vand.u32 $0x1F, v9;
	v24 =	vshrl.u32 v6, v21;
	v23 =	vand.u32 $0x1, v63;
	[tilespmem:$0x310] =	vst v62  }
0x4c: {  	v30 =	vld [tilespmem:$0xC0];
	v29 =	vand.u32 $0x1F, v11;
	v28 =	vshrl.u32 v8, v25;
	v27 =	vand.u32 $0x1, v24;
	[tilespmem:$0x320] =	vst v23  }
0x4d: {  	v34 =	vld [tilespmem:$0x2D0];
	v33 =	vand.u32 $0x1F, v13;
	v32 =	vshrl.u32 v10, v29;
	v31 =	vand.u32 $0x1, v28;
	[tilespmem:$0x330] =	vst v27  }
0x4e: {  	v38 =	vld [tilespmem:$0xD0];
	v37 =	vand.u32 $0x1F, v15;
	v36 =	vshrl.u32 v12, v33;
	v35 =	vand.u32 $0x1, v32;
	[tilespmem:$0x340] =	vst v31  }
0x4f: {  	v42 =	vld [tilespmem:$0x2E0];
	v41 =	vand.u32 $0x1F, v17;
	v40 =	vshrl.u32 v14, v37;
	v39 =	vand.u32 $0x1, v36;
	[tilespmem:$0x350] =	vst v35  }
0x50: {  	v46 =	vld [tilespmem:$0xE0];
	v45 =	vand.u32 $0x1F, v19;
	v44 =	vshrl.u32 v16, v41;
	v43 =	vand.u32 $0x1, v40;
	[tilespmem:$0x360] =	vst v39  }
0x51: {  	v50 =	vld [tilespmem:$0xF0];
	v49 =	vand.u32 $0x1F, v59;
	v48 =	vshrl.u32 v18, v45;
	v47 =	vand.u32 $0x1, v44;
	[tilespmem:$0x370] =	vst v43  }
0x52: {  	v53 =	vand.u32 $0x1F, v22;
	v52 =	vshrl.u32 v20, v49;
	v54 =	vld [tilespmem:$0x2F0];
	v51 =	vand.u32 $0x1, v48;
	[tilespmem:$0x380] =	vst v47  }
0x53: {  	v55 =	vshrl.u32 v61, v53;
	v56 =	vand.u32 $0x1F, v30;
	v1 =	vand.u32 $0x1, v52;
	[tilespmem:$0x390] =	vst v51  }
0x54: {  	v58 =	vand.u32 $0x1F, v38;
	v57 =	vshrl.u32 v26, v56;
	[tilespmem:$0x3A0] =	vst v1;
	v0 =	vand.u32 $0x1, v55  }
0x55: {  	v60 =	vand.u32 $0x1F, v46;
	v59 =	vshrl.u32 v34, v58;
	v1 =	vand.u32 $0x1, v57;
	[tilespmem:$0x3B0] =	vst v0  }
0x56: {  	v61 =	vshrl.u32 v42, v60;
	v62 =	vand.u32 $0x1F, v50;
	[tilespmem:$0x3C0] =	vst v1;
	v0 =	vand.u32 $0x1, v59  }
0x57: {  	v1 =	vand.u32 $0x1, v61;
	[tilespmem:$0x3D0] =	vst v0;
	v63 =	vshrl.u32 v54, v62  }
0x58: {  	p0 =	sne.s32 s6, $0x1;
	[tilespmem:$0x3E0] =	vst v1;
	v0 =	vand.u32 $0x1, v63  }
.Ltmp0:
0x59: {  	[tilespmem:$0x3F0] =	vst v0;
	(pc) =	sbr.rel @p0 .LBB2_1-.Ltmp0, $4  }
0x5a: {  	[hbm4b:s5+s2] =	stream.linear.scatter [tilespmem:s14], [sflag:$0x2], $0x100, $0x38;
	[tilespmem:$0x400] =	vst v63  }
0x5b: {  	_ =	swait.ge [sflag:s7], $0x100  }
0x5c: {  	[sflag:s7] =	ssyncset.done $0x0  }
0x5d: {  	s6 =	sadd.s32 $0xFFFFFFFF, s6;
	[sflag:s7] =	ssyncadd.s32 $0xFFFFFF00  }
0x5e: {  	_ =	sfence.sel $0x180000  }
0x5f: {  	[bflag:$0x0] =	sbarrier.arrive $0xFFFF  }
0x60: {  	p0 =	sne.s32 s1, $0x0;
	_ =	strace $0x90000047  }
0x61: {  	s0 =	sadd.s32 @!p0 $0x100000, s0;
	[bflag:$0x2] =	sbarrier.arrive $0xFFFF  }
0x62: {  	[sflag:s0] =	ssyncadd.tile.s32 @!p0 $0x1;
	_ =	shalt  }
.Lfunc_end2:
_tile_overlayer_lowered:
.L_overlay_start_2:
0x63: {  	(tag) =	ssettag $0x2  }
0x64: {  	s0 =	rddreg [dreg:$0x0];
	s2 =	stileid.u32  }
0x65: {  	s1 =	rddreg [dreg:$0x1];
	p0 =	sne.s32 s2, $0x0  }
0x66: {  	s3 =	rddreg [dreg:$0x2];
	[bflag:$0x3] =	sbarrier.arrive $0xFFFF;
	s2 =	simm.s32 @!p0 $0x1C02  }
0x67: {  	[timem:s3], [sflag:s2] =	dma.local @!p0 [hbm:s0], s1  }
0x68: {  	s0 =	simm.s32 @!p0 $0x2  }
0x69: {  	_ =	swait.ge @!p0 [sflag:s0], s1  }
0x6a: {  	s1 =	ssub.s32 @!p0 $0x0, s1;
	[sflag:s0] =	ssyncset.done @!p0 $0x0  }
0x6b: {  	[sflag:s0] =	ssyncadd.s32 @!p0 s1  }
0x6c: {  	[bflag:$0x3] =	sbarrier.arrive $0xFFFF  }
0x6d: {  	_ =	shalt  }

// kernel: kernel.9.cloned.1.call-start
scs
__scs_entry_jumppad:
0x0: {  	(pc) =	sbr.rel $0x88, $3  }
0x1: {  	(tag) =	ssettag $0x0;
	lr =	simm.s32 $0x1  }
0x2: {  	[smem:$0x3F9E] =	sst lr;
	_ =	strace $0xD0000000  }
0x3: {  	_ = 	snop  }
0x4: {  	_ = 	snop  }
0x5: {  	_ = 	snop  }
0x6: {  	_ = 	snop  }
0x7: {  	_ = 	snop  }
__scs_overlays_trampoline_lowered:
0x8: {  	[smem:$0x3FAD] =	sst s0  }
0x9: {  	[smem:$0x3FAE] =	sst s1  }
0xa: {  	[smem:$0x3FAF] =	sst s2  }
0xb: {  	[smem:$0x3FB0] =	sst s3  }
0xc: {  	[smem:$0x3FB1] =	sst s4  }
0xd: {  	[smem:$0x3FB2] =	sst s5  }
0xe: {  	[smem:$0x3FB3] =	sst s6  }
0xf: {  	[smem:$0x3FB4] =	sst s7  }
0x10: {  	[smem:$0x3FB5] =	sst s8  }
0x11: {  	[smem:$0x3FB6] =	sst s9;
	s0 =	simm.s32 @!p0 $0x0  }
0x12: {  	s1 =	sld [smem:$0x3F9C];
	s0 =	simm.s32 @p0 $0x1  }
0x13: {  	[smem:$0x3FB7] =	sst s0;
	s0 =	simm.s32 @!p1 $0x0  }
0x14: {  	s2 =	sld [smem:$0x3F9B];
	s0 =	simm.s32 @p1 $0x1  }
0x15: {  	[smem:$0x3FB8] =	sst s0;
	s0 =	simm.s32 @!p2 $0x0  }
0x16: {  	s3 =	sld [smem:$0x3FDB];
	s0 =	simm.s32 @p2 $0x1  }
0x17: {  	s4 =	simm.s32 $0x1BF5;
	[smem:$0x3FBA] =	sst s0  }
0x18: {  	s0 =	sld [smem:$0x3F9D];
	_ =	swait.ge [sflag:s4], $0x0  }
0x19: {  	s7 =	sld [smem:$0x3F9E]  }
0x1a: {  	s8 =	sadd.s32 $0xFFFFE003, lr  }
0x1b: {  	s9 =	sadd.s32 $0xFFFFFEF7, lr;
	s5 =	simm.s32 $0xFFFFFFFF;
	p2 =	slt.u32 s8, $0xFFFFF086  }
0x1c: {  	p1 =	slt.u32 s9, $0xF7A;
	s5 =	simm.s32 @!p2 $0x0  }
0x1d: {  	s5 =	simm.s32 @p1 $0x1;
	p0 =	seq.s32 s7, s2  }
0x1e: {  	s7 =	smul.u32 @!p0 $0xF7A, s2;
	p2 =	seq.s32 @!p0 s5, $0x0  }
0x1f: {  	s9 =	smul.u32 $0xF7A, s1;
	s8 =	simm.s32 @!p0 $0x1BF5;
	p2 =	por !p2, p0  }
0x20: {  	[sflag:s8] =	ssyncset.s32 @!p0 $0xFFFFF086;
	s6 =	sadd.s32 @!p0 s3, s7;
	s7 =	simm.s32 @!p0 $0x108  }
0x21: {  	s3 =	sadd.s32 s3, s9;
	s6 =	sadd.s32 @!p0 $0x88, s6;
	s7 =	simm.s32 @p2 $0x1082  }
0x22: {  	[simem:s7], [sflag:s8] =	dma.local @!p0 [hbm:s6], $0xF7A  }
0x23: {  	s9 =	sor.u32 $0xD0000000, s2;
	s6 =	simm.s32 $0x108;
	_ =	swait.ge @!p0 [sflag:s8], $0x0  }
0x24: {  	s3 =	sadd.s32 $0x88, s3;
	s6 =	simm.s32 @!p1 $0x1082;
	[sflag:s4] =	ssyncset.s32 $0xFFFFF086  }
0x25: {  	[simem:s6], [sflag:s4] =	dma.local [hbm:s3], $0xF7A  }
0x26: {  	[smem:$0x3F9E] =	sst s1;
	(tag) =	ssettag s2;
	_ =	strace s9  }
0x27: {  	s1 =	sld [smem:$0x3FAE]  }
0x28: {  	s2 =	sld [smem:$0x3FAF]  }
0x29: {  	s4 =	sld [smem:$0x3FB1]  }
0x2a: {  	p0 =	seq.s32 s5, $0x0;
	s5 =	sld [smem:$0x3FB2]  }
0x2b: {  	s6 =	sld [smem:$0x3FB3]  }
0x2c: {  	s7 =	sld [smem:$0x3FB4]  }
0x2d: {  	s3 =	simm.s32 $0x108;
	s8 =	sld [smem:$0x3FB5]  }
0x2e: {  	s3 =	simm.s32 @!p0 $0x1082;
	s9 =	sld [smem:$0x3FB6]  }
0x2f: {  	lr =	sadd.s32 s0, s3;
	s0 =	sld [smem:$0x3FAD]  }
0x30: {  	s3 =	sld [smem:$0x3FB0]  }
0x31: {  	[smem:$0x3FB9] =	sst s10  }
0x32: {  	s10 =	sld [smem:$0x3FB7];
	_ =	sdelay $0x3  }
0x33: {  	p0 =	seq.s32 s10, $0x1;
	s10 =	sld [smem:$0x3FB9];
	_ =	sdelay $0x3  }
0x34: {  	[smem:$0x3FB9] =	sst s10  }
0x35: {  	s10 =	sld [smem:$0x3FB8];
	_ =	sdelay $0x3  }
0x36: {  	p1 =	seq.s32 s10, $0x1;
	s10 =	sld [smem:$0x3FB9];
	_ =	sdelay $0x3  }
0x37: {  	[smem:$0x3FB9] =	sst s10  }
0x38: {  	s10 =	sld [smem:$0x3FBA]  }
0x39: {  	_ = 	snop;
	(pc) =	sbr.ind lr, $3  }
0x3a: {  	_ = 	snop  }
0x3b: {  	_ = 	snop  }
0x3c: {  	p2 =	seq.s32 s10, $0x1;
	s10 =	sld [smem:$0x3FB9]  }
0x3d: {  	_ =	shalt  }
0x3e: {  	_ =	shalt  }
0x3f: {  	_ =	shalt  }
0x40: {  	_ =	shalt  }
0x41: {  	_ =	shalt  }
0x42: {  	_ =	shalt  }
0x43: {  	_ =	shalt  }
0x44: {  	_ =	shalt  }
0x45: {  	_ =	shalt  }
0x46: {  	_ =	shalt  }
0x47: {  	_ =	shalt  }
0x48: {  	_ =	shalt  }
0x49: {  	_ =	shalt  }
0x4a: {  	_ =	shalt  }
0x4b: {  	_ =	shalt  }
0x4c: {  	_ =	shalt  }
0x4d: {  	_ =	shalt  }
0x4e: {  	_ =	shalt  }
0x4f: {  	_ =	shalt  }
0x50: {  	_ =	shalt  }
0x51: {  	_ =	shalt  }
0x52: {  	_ =	shalt  }
0x53: {  	_ =	shalt  }
0x54: {  	_ =	shalt  }
0x55: {  	_ =	shalt  }
0x56: {  	_ =	shalt  }
0x57: {  	_ =	shalt  }
0x58: {  	_ =	shalt  }
0x59: {  	_ =	shalt  }
0x5a: {  	_ =	shalt  }
0x5b: {  	_ =	shalt  }
0x5c: {  	_ =	shalt  }
0x5d: {  	_ =	shalt  }
0x5e: {  	_ =	shalt  }
0x5f: {  	_ =	shalt  }
0x60: {  	_ =	shalt  }
0x61: {  	_ =	shalt  }
0x62: {  	_ =	shalt  }
0x63: {  	_ =	shalt  }
0x64: {  	_ =	shalt  }
0x65: {  	_ =	shalt  }
0x66: {  	_ =	shalt  }
0x67: {  	_ =	shalt  }
0x68: {  	_ =	shalt  }
0x69: {  	_ =	shalt  }
0x6a: {  	_ =	shalt  }
0x6b: {  	_ =	shalt  }
0x6c: {  	_ =	shalt  }
0x6d: {  	_ =	shalt  }
0x6e: {  	_ =	shalt  }
0x6f: {  	_ =	shalt  }
0x70: {  	_ =	shalt  }
0x71: {  	_ =	shalt  }
0x72: {  	_ =	shalt  }
0x73: {  	_ =	shalt  }
0x74: {  	_ =	shalt  }
0x75: {  	_ =	shalt  }
0x76: {  	_ =	shalt  }
0x77: {  	_ =	shalt  }
0x78: {  	_ =	shalt  }
0x79: {  	_ =	shalt  }
0x7a: {  	_ =	shalt  }
0x7b: {  	_ =	shalt  }
0x7c: {  	_ =	shalt  }
0x7d: {  	_ =	shalt  }
0x7e: {  	_ =	shalt  }
0x7f: {  	_ =	shalt  }
0x80: {  	_ =	shalt  }
0x81: {  	_ =	shalt  }
0x82: {  	_ =	shalt  }
0x83: {  	_ =	shalt  }
0x84: {  	_ =	shalt  }
0x85: {  	_ =	shalt  }
0x86: {  	_ =	shalt  }
0x87: {  	_ =	shalt  }
.Lfunc_end0:
.L_simem_size_0:
called_computation.1_lowered:
.L_overlay_start_0:
0x88: {  	s2 =	sld [smem:$0x3FD9]  }
0x89: {  	s3 =	sld [smem:$0x3FFE];
	_ =	sdelay $0x1  }
0x8a: {  	s1 =	srdreg.scid  }
0x8b: {  	s0 =	sand.u32 $0x1, s1  }
0x8c: {  	s17 =	sshll.u32 s0, $0xA;
	s2 =	sadd.s32 s3, s2  }
0x8d: {  	s2 =	sadd.s32 s2, s17  }
0x8e: {  	[smem:$0x3FC5] =	sst s2  }
0x8f: {  	_ = 	snop  }
0x90: {  	(tm) =	ssettm $0x1  }
0x91: {  	s18 =	sld [smem:$0x3FFB];
	_ =	sdelay $0x3  }
0x92: {  	_ =	strace s18  }
0x93: {  	s2 =	sld [smem:$0x3FFC];
	_ =	sdelay $0x3  }
0x94: {  	_ =	strace s2  }
0x95: {  	s2 =	sld [smem:$0x3FFD];
	_ =	sdelay $0x3  }
0x96: {  	_ =	strace s2  }
0x97: {  	_ =	strace $0x8FFFFFFF  }
0x98: {  	s19 =	sld [smem:$0x3FDB];
	_ =	sdelay $0x1  }
0x99: {  	s20 =	simm.s32 $_scs_section_size  }
0x9a: {  	s4 =	simm.s32 $_size__tile_overlayer_lowered;
	s5 =	simm.s32 $_tile_overlayer_lowered  }
0x9b: {  	s6 =	simm.s32 $0x1BFF;
	s21 =	sshll.u32 s5, $0x1;
	s3 =	sadd.s32 s20, s19  }
0x9c: {  	s22 =	simm.s32 $0x0;
	s4 =	sshll.u32 s4, $0x1;
	s5 =	sadd.s32 s21, s3  }
0x9d: {  	[timem:s22], [sflag:s6] =	dma.local [hbm:s5], s4  }
0x9e: {  	_ =	swait.ge [sflag:s6], s4  }
0x9f: {  	s4 =	ssub.s32 $0x0, s4;
	[sflag:s6] =	ssyncset.done $0x0  }
0xa0: {  	[sflag:s6] =	ssyncadd.s32 s4;
	_ =	sdelay $0x1  }
0xa1: {  	s23 =	simm.s32 $0x1B8B  }
0xa2: {  	_ =	swait.ge [sflag:s23], $0x1  }
0xa3: {  	[sflag:s23] =	ssyncset.done $0x0  }
0xa4: {  	[sflag:s23] =	ssyncadd.s32 $0xFFFFFFFF  }
0xa5: {  	s4 =	sld [smem:$0x0]  }
0xa6: {  	s5 =	sand.u32 $0xFFFFFFFE, s1  }
0xa7: {  	p0 =	sne.s32 s1, s5  }
0xa8: {  	s5 =	sshll.u32 @p0 s5, $0xE  }
0xa9: {  	s5 =	sadd.s32 @p0 $0x11B8D, s5;
	s6 =	sshll.u32 @p0 s4, $0x11  }
0xaa: {  	s5 =	sor.u32 @p0 s6, s5  }
0xab: {  	[sflag:s5] =	ssyncadd.remote.s32 @p0 $0x1;
	_ =	sdelay $0x1  }
0xac: {  	s5 =	simm.s32 @p0 $0x1B8D  }
0xad: {  	_ =	swait.eq @p0 [sflag:s5], $0x1  }
0xae: {  	[sflag:s5] =	ssyncadd.s32 @p0 $0xFFFFFFFF  }
0xaf: {  	s6 =	sshll.u32 @!p0 s1, $0xE  }
0xb0: {  	s6 =	sor.u32 @!p0 $0x4000, s6;
	s5 =	simm.s32 @!p0 $0x1B8D  }
0xb1: {  	s4 =	sshll.u32 @!p0 s4, $0x11;
	s6 =	sadd.s32 @!p0 $0x11B8D, s6;
	_ =	swait.eq @!p0 [sflag:s5], $0x1  }
0xb2: {  	s4 =	sor.u32 @!p0 s4, s6;
	[sflag:s5] =	ssyncadd.s32 @!p0 $0xFFFFFFFF  }
0xb3: {  	s25 =	simm.s32 $0x1B8E;
	s24 =	sld [smem:$0x3FFE];
	[sflag:s4] =	ssyncadd.remote.s32 @!p0 $0x1  }
0xb4: {  	s26 =	simm.s32 $execute0_lowered;
	[smem:$0x3FD2] =	sst s25  }
0xb5: {  	s5 =	sshll.u32 s26, $0x1;
	_ =	strace $0x80000049;
	[dreg:$0x1] =	wrdreg $0xFFFFFFFF  }
0xb6: {  	s28 =	simm.s32 $_size_execute0_lowered;
	s3 =	sadd.s32 s3, s5;
	[dreg:$0x0] =	wrdreg $0x0  }
0xb7: {  	s5 =	sshll.u32 s28, $0x1;
	[dreg:$0x2] =	wrdreg s3  }
0xb8: {  	[dreg:$0x3] =	wrdreg s5  }
0xb9: {  	[dreg:$0x4] =	wrdreg $0xC0  }
0xba: {  	_ =	task [dreg:s22], $0x5FFFF  }
0xbb: {  	[dreg:$0x1] =	wrdreg $0xFFFFFFFF  }
0xbc: {  	[dreg:$0x0] =	wrdreg $0x60  }
0xbd: {  	[dreg:$0x2] =	wrdreg s24  }
0xbe: {  	[dreg:$0x3] =	wrdreg $0xA  }
0xbf: {  	_ =	task.clear_ibuf [dreg:s22], $0x4FFFF;
	_ =	strace $0x90000049  }
0xc0: {  	s29 =	simm.s32 $0xA;
	_ =	strace $0x8000004B  }
0xc1: {  	_ =	swait.ge [sflag:s29], $0x1  }
0xc2: {  	[sflag:s29] =	ssyncadd.s32 $0xFFFFFFFF  }
0xc3: {  	_ =	strace $0x9000004B  }
0xc4: {  	_ =	sfence  }
0xc5: {  	s30 =	sld [smem:$0x0];
	_ =	sdelay $0x2  }
0xc6: {  	s31 =	sshll.u32 s1, $0xD;
	s1 =	sshrl.u32 s1, $0x2  }
0xc7: {  	s4 =	sand.u32 $0x4000, s31;
	s1 =	sadd.s32 s1, s30  }
0xc8: {  	s0 =	sor.u32 s4, s0;
	s1 =	sshll.u32 s1, $0x11  }
0xc9: {  	s0 =	sor.u32 s1, s0  }
0xca: {  	s0 =	sadd.s32 $0x8F2B, s0  }
0xcb: {  	[sflag:s0] =	ssyncadd.remote.s32 $0x1  }
0xcc: {  	_ =	sfence.sel $0xFFFF  }
0xcd: {  	[dreg:$0x0] =	wrdreg $0xFFFFFFFF;
	(pc) =	sbr.abs _section_cstart, $3  }
0xce: {  	[dreg:$0x1] =	wrdreg $0xFFFFFFFF  }
0xcf: {  	_ =	task.clear_ibuf [dreg:s22], $0x2FFFF;
	_ =	strace $0x9FFFFFFF  }
0xd0: {  	(tm) =	ssettm $0x7FFFFFFF  }
0xd1: {  	_ =	shalt  }
tec
execute0_lowered:
.L_overlay_start_1:
0x0: {  	(tag) =	ssettag $0x1  }
0x1: {  	s4 =	rddreg [dreg:$0x0]  }
0x2: {  	s0 =	rddreg [dreg:$0x1];
	s3 =	srdreg.scid  }
0x3: {  	s2 =	simm.s32 $0x0;
	s1 =	stileid.u32;
	s7 =	simm.s32 $0x2  }
0x4: {  	s8 =	simm.s32 $0x80;
	s9 =	simm.s32 $0x100;
	s10 =	simm.s32 $0x200  }
0x5: {  	s11 =	simm.s32 $0x180;
	s12 =	simm.s32 $0x280;
	s13 =	simm.s32 $0x1  }
0x6: {  	s14 =	simm.s32 $0x300;
	s3 =	sand.u32 $0x1, s3;
	[smem:$0x7FF] =	sst s2  }
0x7: {  	s5 =	sshll.u32 s1, $0x6;
	s6 =	sshll.u32 s3, $0x5;
	s30 =	ssub.s32 $0x2, s3  }
0x8: {  	_ =	strace $0x8000004A;
	s5 =	sor.u32 s6, s5;
	s31 =	sshrl.u32 s30, $0x1  }
0x9: {  	s3 =	sadd.s32 $0x1600, s4;
	s5 =	sadd.s32 s5, s4;
	s6 =	ssub.s32 s30, s31  }
0xa: {  	s4 =	sadd.s32 $0x11E00, s5;
	s5 =	sadd.s32 $0x12200, s5;
	s6 =	smax.u32 s6, $0x1  }
.LBB2_1:
0xb: {  	[tilespmem:s2], [sflag:$0x2] =	stream.linear.gather [hbm4b:s4+s2], $0x100, $0x38;
	[tilespmem:$0x400] =	vst v63  }
0xc: {  	_ =	swait.ge [sflag:s7], $0x100  }
0xd: {  	[sflag:s7] =	ssyncset.done $0x0  }
0xe: {  	[sflag:s7] =	ssyncadd.s32 $0xFFFFFF00  }
0xf: {  	v0 =	vld [tilespmem:$0x0]  }
0x10: {  	v1 =	vld [tilespmem:$0x10]  }
0x11: {  	v2 =	vld [tilespmem:$0x20]  }
0x12: {  	v3 =	vld [tilespmem:$0x30]  }
0x13: {  	v4 =	vld [tilespmem:$0x40]  }
0x14: {  	v5 =	vld [tilespmem:$0x50];
	v0 =	vshrl.u32 v0, $0x5  }
0x15: {  	v29 =	vld [tilespmem:$0x60];
	v28 =	vshrl.u32 v1, $0x5;
	[tilespmem:$0x100] =	vst v0  }
0x16: {  	v31 =	vld [tilespmem:$0x70];
	v30 =	vshrl.u32 v2, $0x5;
	[tilespmem:$0x110] =	vst v28  }
0x17: {  	v32 =	vshrl.u32 v3, $0x5;
	[tilespmem:$0x120] =	vst v30  }
0x18: {  	v33 =	vshrl.u32 v4, $0x5;
	[tilespmem:$0x130] =	vst v32  }
0x19: {  	v34 =	vshrl.u32 v5, $0x5;
	[tilespmem:$0x140] =	vst v33  }
0x1a: {  	v35 =	vshrl.u32 v29, $0x5;
	[tilespmem:$0x150] =	vst v34  }
0x1b: {  	v36 =	vshrl.u32 v31, $0x5;
	[tilespmem:$0x160] =	vst v35  }
0x1c: {  	[tilespmem:$0x170] =	vst v36  }
0x1d: {  	[tilespmem:s10], [sflag:$0x1] =	stream.indirect.gather [hbm4b:s3+s8], $0x1, s9, s8, $0xb8;
	[tilespmem:$0x400] =	vst v63  }
0x1e: {  	v37 =	vld [tilespmem:$0x80]  }
0x1f: {  	v38 =	vld [tilespmem:$0x90]  }
0x20: {  	v39 =	vld [tilespmem:$0xA0]  }
0x21: {  	v40 =	vld [tilespmem:$0xB0]  }
0x22: {  	v41 =	vld [tilespmem:$0xC0]  }
0x23: {  	v42 =	vld [tilespmem:$0xD0];
	v0 =	vshrl.u32 v37, $0x5  }
0x24: {  	v44 =	vld [tilespmem:$0xE0];
	v43 =	vshrl.u32 v38, $0x5;
	[tilespmem:$0x180] =	vst v0  }
0x25: {  	v46 =	vld [tilespmem:$0xF0];
	v45 =	vshrl.u32 v39, $0x5;
	[tilespmem:$0x190] =	vst v43  }
0x26: {  	v47 =	vshrl.u32 v40, $0x5;
	[tilespmem:$0x1A0] =	vst v45  }
0x27: {  	v48 =	vshrl.u32 v41, $0x5;
	[tilespmem:$0x1B0] =	vst v47  }
0x28: {  	v49 =	vshrl.u32 v42, $0x5;
	[tilespmem:$0x1C0] =	vst v48  }
0x29: {  	v50 =	vshrl.u32 v44, $0x5;
	[tilespmem:$0x1D0] =	vst v49  }
0x2a: {  	v51 =	vshrl.u32 v46, $0x5;
	[tilespmem:$0x1E0] =	vst v50  }
0x2b: {  	[tilespmem:$0x1F0] =	vst v51  }
0x2c: {  	[tilespmem:s12], [sflag:$0x1] =	stream.indirect.gather [hbm4b:s3+s8], $0x1, s11, s8, $0xb8;
	[tilespmem:$0x400] =	vst v63  }
0x2d: {  	_ =	swait.ge [sflag:s13], $0x80  }
0x2e: {  	[sflag:s13] =	ssyncset.done $0x0  }
0x2f: {  	[sflag:s13] =	ssyncadd.s32 $0xFFFFFF80  }
0x30: {  	_ =	swait.ge [sflag:s13], $0x80  }
0x31: {  	[sflag:s13] =	ssyncset.done $0x0  }
0x32: {  	[sflag:s13] =	ssyncadd.s32 $0xFFFFFF80  }
0x33: {  	v52 =	vld [tilespmem:$0x200]  }
0x34: {  	v53 =	vld [tilespmem:$0x0]  }
0x35: {  	v54 =	vld [tilespmem:$0x210]  }
0x36: {  	v55 =	vld [tilespmem:$0x10]  }
0x37: {  	v56 =	vld [tilespmem:$0x220]  }
0x38: {  	v57 =	vld [tilespmem:$0x20]  }
0x39: {  	v6 =	vld [tilespmem:$0x230]  }
0x3a: {  	v7 =	vld [tilespmem:$0x30]  }
0x3b: {  	v8 =	vld [tilespmem:$0x240]  }
0x3c: {  	v9 =	vld [tilespmem:$0x40]  }
0x3d: {  	v10 =	vld [tilespmem:$0x250]  }
0x3e: {  	v11 =	vld [tilespmem:$0x50]  }
0x3f: {  	v12 =	vld [tilespmem:$0x260]  }
0x40: {  	v13 =	vld [tilespmem:$0x60]  }
0x41: {  	v14 =	vld [tilespmem:$0x270]  }
0x42: {  	v15 =	vld [tilespmem:$0x70]  }
0x43: {  	v16 =	vld [tilespmem:$0x280]  }
0x44: {  	v17 =	vld [tilespmem:$0x80]  }
0x45: {  	v18 =	vld [tilespmem:$0x290]  }
0x46: {  	v19 =	vld [tilespmem:$0x90]  }
0x47: {  	v20 =	vld [tilespmem:$0x2A0];
	v1 =	vand.u32 $0x1F, v53  }
0x48: {  	v59 =	vld [tilespmem:$0xA0];
	v58 =	vand.u32 $0x1F, v55;
	v0 =	vshrl.u32 v52, v1  }
0x49: {  	v61 =	vld [tilespmem:$0x2B0];
	v60 =	vand.u32 $0x1F, v57;
	v1 =	vshrl.u32 v54, v58;
	v0 =	vand.u32 $0x1, v0  }
0x4a: {  	v22 =	vld [tilespmem:$0xB0];
	v21 =	vand.u32 $0x1F, v7;
	v63 =	vshrl.u32 v56, v60;
	v62 =	vand.u32 $0x1, v1;
	[tilespmem:$0x300] =	vst v0  }
0x4b: {  	v26 =	vld [tilespmem:$0x2C0];
	v25 =	vand.u32 $0x1F, v9;
	v24 =	vshrl.u32 v6, v21;
	v23 =	vand.u32 $0x1, v63;
	[tilespmem:$0x310] =	vst v62  }
0x4c: {  	v30 =	vld [tilespmem:$0xC0];
	v29 =	vand.u32 $0x1F, v11;
	v28 =	vshrl.u32 v8, v25;
	v27 =	vand.u32 $0x1, v24;
	[tilespmem:$0x320] =	vst v23  }
0x4d: {  	v34 =	vld [tilespmem:$0x2D0];
	v33 =	vand.u32 $0x1F, v13;
	v32 =	vshrl.u32 v10, v29;
	v31 =	vand.u32 $0x1, v28;
	[tilespmem:$0x330] =	vst v27  }
0x4e: {  	v38 =	vld [tilespmem:$0xD0];
	v37 =	vand.u32 $0x1F, v15;
	v36 =	vshrl.u32 v12, v33;
	v35 =	vand.u32 $0x1, v32;
	[tilespmem:$0x340] =	vst v31  }
0x4f: {  	v42 =	vld [tilespmem:$0x2E0];
	v41 =	vand.u32 $0x1F, v17;
	v40 =	vshrl.u32 v14, v37;
	v39 =	vand.u32 $0x1, v36;
	[tilespmem:$0x350] =	vst v35  }
0x50: {  	v46 =	vld [tilespmem:$0xE0];
	v45 =	vand.u32 $0x1F, v19;
	v44 =	vshrl.u32 v16, v41;
	v43 =	vand.u32 $0x1, v40;
	[tilespmem:$0x360] =	vst v39  }
0x51: {  	v50 =	vld [tilespmem:$0xF0];
	v49 =	vand.u32 $0x1F, v59;
	v48 =	vshrl.u32 v18, v45;
	v47 =	vand.u32 $0x1, v44;
	[tilespmem:$0x370] =	vst v43  }
0x52: {  	v53 =	vand.u32 $0x1F, v22;
	v52 =	vshrl.u32 v20, v49;
	v54 =	vld [tilespmem:$0x2F0];
	v51 =	vand.u32 $0x1, v48;
	[tilespmem:$0x380] =	vst v47  }
0x53: {  	v55 =	vshrl.u32 v61, v53;
	v56 =	vand.u32 $0x1F, v30;
	v1 =	vand.u32 $0x1, v52;
	[tilespmem:$0x390] =	vst v51  }
0x54: {  	v58 =	vand.u32 $0x1F, v38;
	v57 =	vshrl.u32 v26, v56;
	[tilespmem:$0x3A0] =	vst v1;
	v0 =	vand.u32 $0x1, v55  }
0x55: {  	v60 =	vand.u32 $0x1F, v46;
	v59 =	vshrl.u32 v34, v58;
	v1 =	vand.u32 $0x1, v57;
	[tilespmem:$0x3B0] =	vst v0  }
0x56: {  	v61 =	vshrl.u32 v42, v60;
	v62 =	vand.u32 $0x1F, v50;
	[tilespmem:$0x3C0] =	vst v1;
	v0 =	vand.u32 $0x1, v59  }
0x57: {  	v1 =	vand.u32 $0x1, v61;
	[tilespmem:$0x3D0] =	vst v0;
	v63 =	vshrl.u32 v54, v62  }
0x58: {  	p0 =	sne.s32 s6, $0x1;
	[tilespmem:$0x3E0] =	vst v1;
	v0 =	vand.u32 $0x1, v63  }
.Ltmp0:
0x59: {  	[tilespmem:$0x3F0] =	vst v0;
	(pc) =	sbr.rel @p0 .LBB2_1-.Ltmp0, $4  }
0x5a: {  	[hbm4b:s5+s2] =	stream.linear.scatter [tilespmem:s14], [sflag:$0x2], $0x100, $0x38;
	[tilespmem:$0x400] =	vst v63  }
0x5b: {  	_ =	swait.ge [sflag:s7], $0x100  }
0x5c: {  	[sflag:s7] =	ssyncset.done $0x0  }
0x5d: {  	s6 =	sadd.s32 $0xFFFFFFFF, s6;
	[sflag:s7] =	ssyncadd.s32 $0xFFFFFF00  }
0x5e: {  	_ =	sfence.sel $0x180000  }
0x5f: {  	[bflag:$0x0] =	sbarrier.arrive $0xFFFF  }
0x60: {  	p0 =	sne.s32 s1, $0x0;
	_ =	strace $0x9000004A  }
0x61: {  	s0 =	sadd.s32 @!p0 $0x100000, s0;
	[bflag:$0x2] =	sbarrier.arrive $0xFFFF  }
0x62: {  	[sflag:s0] =	ssyncadd.tile.s32 @!p0 $0x1;
	_ =	shalt  }
.Lfunc_end2:
_tile_overlayer_lowered:
.L_overlay_start_2:
0x63: {  	(tag) =	ssettag $0x2  }
0x64: {  	s0 =	rddreg [dreg:$0x0];
	s2 =	stileid.u32  }
0x65: {  	s1 =	rddreg [dreg:$0x1];
	p0 =	sne.s32 s2, $0x0  }
0x66: {  	s3 =	rddreg [dreg:$0x2];
	[bflag:$0x3] =	sbarrier.arrive $0xFFFF;
	s2 =	simm.s32 @!p0 $0x1C02  }
0x67: {  	[timem:s3], [sflag:s2] =	dma.local @!p0 [hbm:s0], s1  }
0x68: {  	s0 =	simm.s32 @!p0 $0x2  }
0x69: {  	_ =	swait.ge @!p0 [sflag:s0], s1  }
0x6a: {  	s1 =	ssub.s32 @!p0 $0x0, s1;
	[sflag:s0] =	ssyncset.done @!p0 $0x0  }
0x6b: {  	[sflag:s0] =	ssyncadd.s32 @!p0 s1  }
0x6c: {  	[bflag:$0x3] =	sbarrier.arrive $0xFFFF  }
0x6d: {  	_ =	shalt  }

</sc_bundles>
